<compile_context>
chip_gen: v7x
topology: tpu7x:2x2x1
jax: 0.10.2.dev20260603
libtpu: 0.0.44.dev20260713+nightly
codegen_flags: <defaults>
</compile_context>

<pallas_src>
import jax
import jax.numpy as jnp
from jax import lax
from jax.experimental import pallas as pl
from jax.experimental.pallas import tpu as pltpu
from jax.experimental.pallas import tpu_sc as plsc

_B, _L = 4096, 32
_N = _B * _L
_D0, _D1 = 2048, 1024
_NW = 32
_TPW = _N // _NW
_IW = 128
_W0, _R0 = 8, 4
_W1, _R1 = 16, 4

_mesh = plsc.VectorSubcoreMesh(core_axis_name="core", subcore_axis_name="subcore")


def _phase(table_hbm, idx_hbm, out_hbm, d, w, r_depth, wid):
    n = _TPW // w
    per_row = _IW // w
    base = wid * _TPW

    def run(idx_v, bufs, gsem, ssem):
        pltpu.sync_copy(idx_hbm.at[wid], idx_v)

        def idx_slice(g):
            return idx_v.at[g // per_row, pl.ds((g % per_row) * w, w)]

        def gather(g, slot):
            pltpu.async_copy(table_hbm.at[idx_slice(g)], bufs.at[slot], gsem.at[slot])

        def out_slice(g):
            return out_hbm.at[pl.ds(base + g * w, w)]

        for slot in range(r_depth - 1):
            gather(slot, slot)

        @pl.loop(0, n, step=r_depth)
        def _(gg):
            for r in range(r_depth):
                g = gg + r
                rm1 = (r - 1) % r_depth

                @pl.when(g >= 1)
                def _():
                    pltpu.make_async_copy(bufs.at[rm1], out_slice(g - 1), ssem.at[rm1]).wait()

                @pl.when(g + r_depth - 1 < n)
                def _():
                    gather(g + r_depth - 1, rm1)

                pltpu.make_async_copy(table_hbm.at[idx_slice(g)], bufs.at[r], gsem.at[r]).wait()
                pltpu.async_copy(bufs.at[r], out_slice(g), ssem.at[r])

        last = (n - 1) % r_depth
        pltpu.make_async_copy(bufs.at[last], out_slice(n - 1), ssem.at[last]).wait()

    pl.run_scoped(
        run,
        pltpu.VMEM((n // per_row, _IW), jnp.int32),
        pltpu.VMEM((r_depth, w, d), jnp.float32),
        pltpu.SemaphoreType.DMA((r_depth,)),
        pltpu.SemaphoreType.DMA((r_depth,)),
    )


def _embed_pair(idx0, idx1, table0, table1):
    @pl.kernel(
        out_type=(
            jax.ShapeDtypeStruct((_N, _D0), jnp.float32),
            jax.ShapeDtypeStruct((_N, _D1), jnp.float32),
        ),
        mesh=_mesh,
    )
    def body(t0_hbm, i0_hbm, t1_hbm, i1_hbm, o0_hbm, o1_hbm):
        wid = lax.axis_index("subcore") * 2 + lax.axis_index("core")
        _phase(t0_hbm, i0_hbm, o0_hbm, _D0, _W0, _R0, wid)
        _phase(t1_hbm, i1_hbm, o1_hbm, _D1, _W1, _R1, wid)

    return body(table0, idx0, table1, idx1)


def kernel(captions_0, captions_1, opt_word_embed, t5_word_embed):
    idx0 = captions_0.reshape(_NW, _TPW // _IW, _IW)
    idx1 = captions_1.reshape(_NW, _TPW // _IW, _IW)
    o0, o1 = _embed_pair(idx0, idx1, opt_word_embed, t5_word_embed)
    return o0.reshape(_B, _L, _D0), o1.reshape(_B, _L, _D1)

# --- scband reference (transcript-rebuilt; emitter-appended) ---
"""Pipeline reference for scband-base-model-4561255268753 (READ-ONLY COPY).

The authoritative reference and input builder live on the scoring server;
editing this copy changes nothing except your own understanding.
"""

import jax, jax.numpy as jnp
import numpy as np

# BaseModel('facebook/opt-1.3b', 'google/flan-t5-large') -> mode 'opt_to_t5'
# OPT-1.3b: vocab 50272, hidden 2048 (project_in is None at this size, embed_dim == d_model)
# flan-t5-large: vocab 32128, d_model 1024
OPT_VOCAB = 50272
OPT_DIM = 2048
T5_VOCAB = 32128
T5_DIM = 1024
B = 4096
L = 32  # max_txt_len


def setup_inputs(seed: int = 0) -> dict:
    key = jax.random.key(seed)
    k1, k2, k3, k4 = jax.random.split(key, 4)
    captions_0 = jax.random.randint(k1, (B, L), 0, OPT_VOCAB, dtype=jnp.int32)
    captions_1 = jax.random.randint(k2, (B, L), 0, T5_VOCAB, dtype=jnp.int32)
    opt_word_embed = jax.random.normal(k3, (OPT_VOCAB, OPT_DIM), dtype=jnp.float32) * 0.02
    t5_word_embed = jax.random.normal(k4, (T5_VOCAB, T5_DIM), dtype=jnp.float32) * 0.02
    return {
        "captions_0": captions_0,
        "captions_1": captions_1,
        "opt_word_embed": opt_word_embed,
        "t5_word_embed": t5_word_embed,
    }


def reference(captions_0, captions_1, opt_word_embed, t5_word_embed):
    # mode == 'opt_to_t5':
    #   from_embeds = from_word_embed_data(captions[0])  # OPT embedding lookup
    #   to_embeds   = to_word_embed_data(captions[1])    # T5 embedding lookup
    from_embeds = jnp.take(opt_word_embed, captions_0, axis=0)
    to_embeds = jnp.take(t5_word_embed, captions_1, axis=0)
    return (from_embeds, to_embeds)

if __name__ == "__main__":
    import jax
    _d = setup_inputs()
    print(jax.jit(kernel)(*tuple(_d.values())))

</pallas_src>

<mosaic_0001>
#map = affine_map<(d0, d1) -> (0, 0)>
#map1 = affine_map<(d0, d1) -> (0, 0, 0)>
module attributes {stable_mosaic.version = 14 : i64} {
  func.func @body(%arg0: i32, %arg1: i32, %arg2: memref<50272x2048xf32, #tpu.memory_space<hbm>>, %arg3: memref<32x32x128xi32, #tpu.memory_space<hbm>>, %arg4: memref<32128x1024xf32, #tpu.memory_space<hbm>>, %arg5: memref<32x32x128xi32, #tpu.memory_space<hbm>>, %arg6: memref<131072x2048xf32, #tpu.memory_space<hbm>>, %arg7: memref<131072x1024xf32, #tpu.memory_space<hbm>>) attributes {dimension_semantics = [#tpu.dimension_semantics<core_parallel>, #tpu.dimension_semantics<subcore_parallel>], iteration_bounds = array<i64: 2, 16>, scalar_prefetch = 0 : i64, scratch_operands = 0 : i64, tpu.core_type = #tpu.core_type<sc_vector_subcore>, window_params = [{transform_indices = #map}, {transform_indices = #map1}, {transform_indices = #map}, {transform_indices = #map1}, {transform_indices = #map}, {transform_indices = #map}]} {
    %mul3A = arith.constant 2 : i32
    %mul3A_0 = arith.muli %arg1, %mul3A : i32
    %add3A = arith.addi %mul3A_0, %arg0 : i32
    %mul3A_1 = arith.constant 4096 : i32
    %mul3A_2 = arith.muli %add3A, %mul3A_1 : i32
    "tpu.region"() ({
      %run_scoped3A = memref.alloca() : memref<32x128xi32, #tpu.memory_space<vmem>>
      %run_scoped3A_5 = memref.alloca() : memref<4x8x2048xf32, #tpu.memory_space<vmem>>
      %run_scoped3A_6 = tpu.sem_alloc : memref<4x!tpu.dma_semaphore, #tpu.memory_space<semaphore_mem>>
      %run_scoped3A_7 = tpu.sem_alloc : memref<4x!tpu.dma_semaphore, #tpu.memory_space<semaphore_mem>>
      "tpu.region"() ({
        %run_scoped3A_73 = tpu.sem_alloc : memref<!tpu.dma_semaphore, #tpu.memory_space<semaphore_mem>>
        %dma_start3A_74 = arith.constant 0 : i32
        %dma_start3A_75 = arith.constant 0 : i32
        %dma_start3A_76 = tpu.memref_slice %arg3[%add3A, %dma_start3A_74, %dma_start3A_75] : memref<32x32x128xi32, #tpu.memory_space<hbm>> -> memref<1x32x128xi32, #tpu.memory_space<hbm>>
        %dma_start3A_77 = tpu.memref_squeeze %dma_start3A_76 : memref<1x32x128xi32, #tpu.memory_space<hbm>> -> memref<32x128xi32, #tpu.memory_space<hbm>>
        %dma_start3A_78 = arith.constant 0 : i32
        %dma_start3A_79 = arith.constant 0 : i32
        %dma_start3A_80 = tpu.memref_slice %arg3[%add3A, %dma_start3A_78, %dma_start3A_79] : memref<32x32x128xi32, #tpu.memory_space<hbm>> -> memref<1x32x128xi32, #tpu.memory_space<hbm>>
        %dma_start3A_81 = tpu.memref_squeeze %dma_start3A_80 : memref<1x32x128xi32, #tpu.memory_space<hbm>> -> memref<32x128xi32, #tpu.memory_space<hbm>>
        tpu.enqueue_dma source(%dma_start3A_81 : memref<32x128xi32, #tpu.memory_space<hbm>>) target(%run_scoped3A : memref<32x128xi32, #tpu.memory_space<vmem>>) target_semaphore(%run_scoped3A_73 : memref<!tpu.dma_semaphore, #tpu.memory_space<semaphore_mem>>)
        %dma_wait3A_82 = arith.constant 0 : i32
        %dma_wait3A_83 = arith.constant 0 : i32
        %dma_wait3A_84 = tpu.memref_slice %arg3[%add3A, %dma_wait3A_82, %dma_wait3A_83] : memref<32x32x128xi32, #tpu.memory_space<hbm>> -> memref<1x32x128xi32, #tpu.memory_space<hbm>>
        %dma_wait3A_85 = tpu.memref_squeeze %dma_wait3A_84 : memref<1x32x128xi32, #tpu.memory_space<hbm>> -> memref<32x128xi32, #tpu.memory_space<hbm>>
        %dma_wait3A_86 = arith.constant 0 : i32
        %dma_wait3A_87 = arith.constant 0 : i32
        %dma_wait3A_88 = tpu.memref_slice %arg3[%add3A, %dma_wait3A_86, %dma_wait3A_87] : memref<32x32x128xi32, #tpu.memory_space<hbm>> -> memref<1x32x128xi32, #tpu.memory_space<hbm>>
        %dma_wait3A_89 = tpu.memref_squeeze %dma_wait3A_88 : memref<1x32x128xi32, #tpu.memory_space<hbm>> -> memref<32x128xi32, #tpu.memory_space<hbm>>
        tpu.wait_dma2 semaphore(%run_scoped3A_73 : memref<!tpu.dma_semaphore, #tpu.memory_space<semaphore_mem>>) src(%dma_wait3A_89 : memref<32x128xi32, #tpu.memory_space<hbm>>) dst(%run_scoped3A : memref<32x128xi32, #tpu.memory_space<vmem>>)
        tpu.yield
      }) : () -> ()
      %dma_start3A = arith.constant 0 : i32
      %dma_start3A_8 = arith.constant 0 : i32
      %dma_start3A_9 = arith.constant 0 : i32
      %dma_start3A_10 = arith.constant 0 : i32
      %dma_start3A_11 = arith.constant 0 : i32
      %dma_start3A_12 = tpu.memref_slice %run_scoped3A_5[%dma_start3A_8, %dma_start3A_10, %dma_start3A_11] : memref<4x8x2048xf32, #tpu.memory_space<vmem>> -> memref<1x8x2048xf32, #tpu.memory_space<vmem>>
      %dma_start3A_13 = tpu.memref_squeeze %dma_start3A_12 : memref<1x8x2048xf32, #tpu.memory_space<vmem>> -> memref<8x2048xf32, #tpu.memory_space<vmem>>
      %dma_start3A_14 = arith.constant 0 : i32
      %dma_start3A_15 = tpu.memref_slice %run_scoped3A[%dma_start3A, %dma_start3A_14] : memref<32x128xi32, #tpu.memory_space<vmem>> -> memref<1x8xi32, #tpu.memory_space<vmem>>
      %dma_start3A_16 = tpu.memref_squeeze %dma_start3A_15 : memref<1x8xi32, #tpu.memory_space<vmem>> -> memref<8xi32, #tpu.memory_space<vmem>>
      %dma_start3A_17 = arith.constant 0 : i32
      %dma_start3A_18 = arith.constant 0 : i32
      %dma_start3A_19 = tpu.memref_slice %arg2[%dma_start3A_17, %dma_start3A_18] : memref<50272x2048xf32, #tpu.memory_space<hbm>> -> memref<50272x2048xf32, #tpu.memory_space<hbm>>
      %dma_start3A_20 = tpu.memref_slice %run_scoped3A_6[%dma_start3A_9] : memref<4x!tpu.dma_semaphore, #tpu.memory_space<semaphore_mem>> -> memref<1x!tpu.dma_semaphore, #tpu.memory_space<semaphore_mem>>
      %dma_start3A_21 = tpu.memref_squeeze %dma_start3A_20 : memref<1x!tpu.dma_semaphore, #tpu.memory_space<semaphore_mem>> -> memref<!tpu.dma_semaphore, #tpu.memory_space<semaphore_mem>>
      tpu.enqueue_indirect_dma source(%dma_start3A_19 : memref<50272x2048xf32, #tpu.memory_space<hbm>>) target(%dma_start3A_13 : memref<8x2048xf32, #tpu.memory_space<vmem>>) offsets(%dma_start3A_16 : memref<8xi32, #tpu.memory_space<vmem>>) semaphore(%dma_start3A_21 : memref<!tpu.dma_semaphore, #tpu.memory_space<semaphore_mem>>)
      %dma_start3A_22 = arith.constant 0 : i32
      %dma_start3A_23 = arith.constant 1 : i32
      %dma_start3A_24 = arith.constant 1 : i32
      %dma_start3A_25 = arith.constant 0 : i32
      %dma_start3A_26 = arith.constant 0 : i32
      %dma_start3A_27 = tpu.memref_slice %run_scoped3A_5[%dma_start3A_23, %dma_start3A_25, %dma_start3A_26] : memref<4x8x2048xf32, #tpu.memory_space<vmem>> -> memref<1x8x2048xf32, #tpu.memory_space<vmem>>
      %dma_start3A_28 = tpu.memref_squeeze %dma_start3A_27 : memref<1x8x2048xf32, #tpu.memory_space<vmem>> -> memref<8x2048xf32, #tpu.memory_space<vmem>>
      %dma_start3A_29 = arith.constant 8 : i32
      %dma_start3A_30 = tpu.memref_slice %run_scoped3A[%dma_start3A_22, %dma_start3A_29] : memref<32x128xi32, #tpu.memory_space<vmem>> -> memref<1x8xi32, #tpu.memory_space<vmem>>
      %dma_start3A_31 = tpu.memref_squeeze %dma_start3A_30 : memref<1x8xi32, #tpu.memory_space<vmem>> -> memref<8xi32, #tpu.memory_space<vmem>>
      %dma_start3A_32 = arith.constant 0 : i32
      %dma_start3A_33 = arith.constant 0 : i32
      %dma_start3A_34 = tpu.memref_slice %arg2[%dma_start3A_32, %dma_start3A_33] : memref<50272x2048xf32, #tpu.memory_space<hbm>> -> memref<50272x2048xf32, #tpu.memory_space<hbm>>
      %dma_start3A_35 = tpu.memref_slice %run_scoped3A_6[%dma_start3A_24] : memref<4x!tpu.dma_semaphore, #tpu.memory_space<semaphore_mem>> -> memref<1x!tpu.dma_semaphore, #tpu.memory_space<semaphore_mem>>
      %dma_start3A_36 = tpu.memref_squeeze %dma_start3A_35 : memref<1x!tpu.dma_semaphore, #tpu.memory_space<semaphore_mem>> -> memref<!tpu.dma_semaphore, #tpu.memory_space<semaphore_mem>>
      tpu.enqueue_indirect_dma source(%dma_start3A_34 : memref<50272x2048xf32, #tpu.memory_space<hbm>>) target(%dma_start3A_28 : memref<8x2048xf32, #tpu.memory_space<vmem>>) offsets(%dma_start3A_31 : memref<8xi32, #tpu.memory_space<vmem>>) semaphore(%dma_start3A_36 : memref<!tpu.dma_semaphore, #tpu.memory_space<semaphore_mem>>)
      %dma_start3A_37 = arith.constant 0 : i32
      %dma_start3A_38 = arith.constant 2 : i32
      %dma_start3A_39 = arith.constant 2 : i32
      %dma_start3A_40 = arith.constant 0 : i32
      %dma_start3A_41 = arith.constant 0 : i32
      %dma_start3A_42 = tpu.memref_slice %run_scoped3A_5[%dma_start3A_38, %dma_start3A_40, %dma_start3A_41] : memref<4x8x2048xf32, #tpu.memory_space<vmem>> -> memref<1x8x2048xf32, #tpu.memory_space<vmem>>
      %dma_start3A_43 = tpu.memref_squeeze %dma_start3A_42 : memref<1x8x2048xf32, #tpu.memory_space<vmem>> -> memref<8x2048xf32, #tpu.memory_space<vmem>>
      %dma_start3A_44 = arith.constant 16 : i32
      %dma_start3A_45 = tpu.memref_slice %run_scoped3A[%dma_start3A_37, %dma_start3A_44] : memref<32x128xi32, #tpu.memory_space<vmem>> -> memref<1x8xi32, #tpu.memory_space<vmem>>
      %dma_start3A_46 = tpu.memref_squeeze %dma_start3A_45 : memref<1x8xi32, #tpu.memory_space<vmem>> -> memref<8xi32, #tpu.memory_space<vmem>>
      %dma_start3A_47 = arith.constant 0 : i32
      %dma_start3A_48 = arith.constant 0 : i32
      %dma_start3A_49 = tpu.memref_slice %arg2[%dma_start3A_47, %dma_start3A_48] : memref<50272x2048xf32, #tpu.memory_space<hbm>> -> memref<50272x2048xf32, #tpu.memory_space<hbm>>
      %dma_start3A_50 = tpu.memref_slice %run_scoped3A_6[%dma_start3A_39] : memref<4x!tpu.dma_semaphore, #tpu.memory_space<semaphore_mem>> -> memref<1x!tpu.dma_semaphore, #tpu.memory_space<semaphore_mem>>
      %dma_start3A_51 = tpu.memref_squeeze %dma_start3A_50 : memref<1x!tpu.dma_semaphore, #tpu.memory_space<semaphore_mem>> -> memref<!tpu.dma_semaphore, #tpu.memory_space<semaphore_mem>>
      tpu.enqueue_indirect_dma source(%dma_start3A_49 : memref<50272x2048xf32, #tpu.memory_space<hbm>>) target(%dma_start3A_43 : memref<8x2048xf32, #tpu.memory_space<vmem>>) offsets(%dma_start3A_46 : memref<8xi32, #tpu.memory_space<vmem>>) semaphore(%dma_start3A_51 : memref<!tpu.dma_semaphore, #tpu.memory_space<semaphore_mem>>)
      %scan3A = arith.constant 0 : i32
      %scan3A_52 = arith.constant 128 : i32
      %scan3A_53 = arith.addi %scan3A, %scan3A_52 : i32
      %scan3A_54 = arith.constant 1 : i32
      scf.for %scan3A_73 = %scan3A to %scan3A_53 step %scan3A_54  : i32 {
        %mul3A_74 = arith.constant 4 : i32
        %mul3A_75 = arith.muli %scan3A_73, %mul3A_74 : i32
        %add3A_76 = arith.constant 0 : i32
        %add3A_77 = arith.addi %add3A_76, %mul3A_75 : i32
        %add3A_78 = arith.constant 0 : i32
        %add3A_79 = arith.addi %add3A_77, %add3A_78 : i32
        %ge3A = arith.constant 1 : i32
        %ge3A_80 = arith.cmpi sge, %add3A_79, %ge3A : i32
        %convert_element_type3A = arith.extui %ge3A_80 : i1 to i32
        %cond3A = arith.constant 0 : i32
        %cond3A_81 = arith.cmpi ne, %convert_element_type3A, %cond3A : i32
        scf.if %cond3A_81 {
          %sub3A_425 = arith.constant 1 : i32
          %sub3A_426 = arith.subi %add3A_79, %sub3A_425 : i32
          %mul3A_427 = arith.constant 8 : i32
          %mul3A_428 = arith.muli %sub3A_426, %mul3A_427 : i32
          %add3A_429 = arith.addi %mul3A_2, %mul3A_428 : i32
          %dma_wait3A_430 = arith.constant 3 : i32
          %dma_wait3A_431 = arith.constant 3 : i32
          %dma_wait3A_432 = arith.constant 0 : i32
          %dma_wait3A_433 = arith.constant 0 : i32
          %dma_wait3A_434 = tpu.memref_slice %run_scoped3A_5[%dma_wait3A_430, %dma_wait3A_432, %dma_wait3A_433] : memref<4x8x2048xf32, #tpu.memory_space<vmem>> -> memref<1x8x2048xf32, #tpu.memory_space<vmem>>
          %dma_wait3A_435 = tpu.memref_squeeze %dma_wait3A_434 : memref<1x8x2048xf32, #tpu.memory_space<vmem>> -> memref<8x2048xf32, #tpu.memory_space<vmem>>
          %dma_wait3A_436 = arith.constant 0 : i32
          %dma_wait3A_437 = tpu.memref_slice %arg6[%add3A_429, %dma_wait3A_436] : memref<131072x2048xf32, #tpu.memory_space<hbm>> -> memref<8x2048xf32, #tpu.memory_space<hbm>>
          %dma_wait3A_438 = tpu.memref_slice %run_scoped3A_7[%dma_wait3A_431] : memref<4x!tpu.dma_semaphore, #tpu.memory_space<semaphore_mem>> -> memref<1x!tpu.dma_semaphore, #tpu.memory_space<semaphore_mem>>
          %dma_wait3A_439 = tpu.memref_squeeze %dma_wait3A_438 : memref<1x!tpu.dma_semaphore, #tpu.memory_space<semaphore_mem>> -> memref<!tpu.dma_semaphore, #tpu.memory_space<semaphore_mem>>
          %dma_wait3A_440 = arith.constant 0 : i32
          %dma_wait3A_441 = tpu.memref_slice %arg6[%add3A_429, %dma_wait3A_440] : memref<131072x2048xf32, #tpu.memory_space<hbm>> -> memref<8x2048xf32, #tpu.memory_space<hbm>>
          %dma_wait3A_442 = arith.constant 0 : i32
          %dma_wait3A_443 = arith.constant 0 : i32
          %dma_wait3A_444 = tpu.memref_slice %run_scoped3A_5[%dma_wait3A_430, %dma_wait3A_442, %dma_wait3A_443] : memref<4x8x2048xf32, #tpu.memory_space<vmem>> -> memref<1x8x2048xf32, #tpu.memory_space<vmem>>
          %dma_wait3A_445 = tpu.memref_squeeze %dma_wait3A_444 : memref<1x8x2048xf32, #tpu.memory_space<vmem>> -> memref<8x2048xf32, #tpu.memory_space<vmem>>
          tpu.wait_dma2 semaphore(%dma_wait3A_439 : memref<!tpu.dma_semaphore, #tpu.memory_space<semaphore_mem>>) src(%dma_wait3A_445 : memref<8x2048xf32, #tpu.memory_space<vmem>>) dst(%dma_wait3A_441 : memref<8x2048xf32, #tpu.memory_space<hbm>>)
        } else {
        }
        %add3A_82 = arith.constant 4 : i32
        %add3A_83 = arith.addi %add3A_79, %add3A_82 : i32
        %sub3A = arith.constant 1 : i32
        %sub3A_84 = arith.subi %add3A_83, %sub3A : i32
        %lt3A = arith.constant 512 : i32
        %lt3A_85 = arith.cmpi slt, %sub3A_84, %lt3A : i32
        %convert_element_type3A_86 = arith.extui %lt3A_85 : i1 to i32
        %cond3A_87 = arith.constant 0 : i32
        %cond3A_88 = arith.cmpi ne, %convert_element_type3A_86, %cond3A_87 : i32
        scf.if %cond3A_88 {
          %add3A_425 = arith.constant 4 : i32
          %add3A_426 = arith.addi %add3A_79, %add3A_425 : i32
          %sub3A_427 = arith.constant 1 : i32
          %sub3A_428 = arith.subi %add3A_426, %sub3A_427 : i32
          %jit3A_429 = arith.constant 16 : i32
          %div3A_430 = arith.divsi %sub3A_428, %jit3A_429 : i32
          %sign3A_431 = arith.constant 0 : i32
          %sign3A_432 = arith.cmpi sgt, %sub3A_428, %sign3A_431 : i32
          %sign3A_433 = arith.extui %sign3A_432 : i1 to i32
          %sign3A_434 = arith.constant 0 : i32
          %sign3A_435 = arith.cmpi slt, %sub3A_428, %sign3A_434 : i32
          %sign3A_436 = arith.extui %sign3A_435 : i1 to i32
          %sign3A_437 = arith.subi %sign3A_433, %sign3A_436 : i32
          %sign3A_438 = arith.constant 0 : i32
          %sign3A_439 = arith.cmpi sgt, %jit3A_429, %sign3A_438 : i32
          %sign3A_440 = arith.extui %sign3A_439 : i1 to i32
          %sign3A_441 = arith.constant 0 : i32
          %sign3A_442 = arith.cmpi slt, %jit3A_429, %sign3A_441 : i32
          %sign3A_443 = arith.extui %sign3A_442 : i1 to i32
          %sign3A_444 = arith.subi %sign3A_440, %sign3A_443 : i32
          %ne3A_445 = arith.cmpi ne, %sign3A_437, %sign3A_444 : i32
          %rem3A_446 = arith.remsi %sub3A_428, %jit3A_429 : i32
          %ne3A_447 = arith.constant 0 : i32
          %ne3A_448 = arith.cmpi ne, %rem3A_446, %ne3A_447 : i32
          %and3A_449 = arith.andi %ne3A_445, %ne3A_448 : i1
          %sub3A_450 = arith.constant 1 : i32
          %sub3A_451 = arith.subi %div3A_430, %sub3A_450 : i32
          %select_n3A_452 = arith.select %and3A_449, %sub3A_451, %div3A_430 : i32
          %jit3A_453 = arith.constant 16 : i32
          %eq3A_454 = arith.constant 0 : i32
          %eq3A_455 = arith.cmpi eq, %jit3A_453, %eq3A_454 : i32
          %jit3A_456 = arith.constant 1 : i32
          %select_n3A_457 = arith.select %eq3A_455, %jit3A_456, %jit3A_453 : i32
          %rem3A_458 = arith.remsi %sub3A_428, %select_n3A_457 : i32
          %ne3A_459 = arith.constant 0 : i32
          %ne3A_460 = arith.cmpi ne, %rem3A_458, %ne3A_459 : i32
          %lt3A_461 = arith.constant 0 : i32
          %lt3A_462 = arith.cmpi slt, %rem3A_458, %lt3A_461 : i32
          %lt3A_463 = arith.constant 0 : i32
          %lt3A_464 = arith.cmpi slt, %select_n3A_457, %lt3A_463 : i32
          %ne3A_465 = arith.xori %lt3A_462, %lt3A_464 : i1
          %and3A_466 = arith.andi %ne3A_465, %ne3A_460 : i1
          %add3A_467 = arith.addi %rem3A_458, %select_n3A_457 : i32
          %select_n3A_468 = arith.select %and3A_466, %add3A_467, %rem3A_458 : i32
          %mul3A_469 = arith.constant 8 : i32
          %mul3A_470 = arith.muli %select_n3A_468, %mul3A_469 : i32
          %dma_start3A_471 = arith.constant 3 : i32
          %dma_start3A_472 = arith.constant 3 : i32
          %dma_start3A_473 = arith.constant 0 : i32
          %dma_start3A_474 = arith.constant 0 : i32
          %dma_start3A_475 = tpu.memref_slice %run_scoped3A_5[%dma_start3A_471, %dma_start3A_473, %dma_start3A_474] : memref<4x8x2048xf32, #tpu.memory_space<vmem>> -> memref<1x8x2048xf32, #tpu.memory_space<vmem>>
          %dma_start3A_476 = tpu.memref_squeeze %dma_start3A_475 : memref<1x8x2048xf32, #tpu.memory_space<vmem>> -> memref<8x2048xf32, #tpu.memory_space<vmem>>
          %dma_start3A_477 = tpu.memref_slice %run_scoped3A[%select_n3A_452, %mul3A_470] : memref<32x128xi32, #tpu.memory_space<vmem>> -> memref<1x8xi32, #tpu.memory_space<vmem>>
          %dma_start3A_478 = tpu.memref_squeeze %dma_start3A_477 : memref<1x8xi32, #tpu.memory_space<vmem>> -> memref<8xi32, #tpu.memory_space<vmem>>
          %dma_start3A_479 = arith.constant 0 : i32
          %dma_start3A_480 = arith.constant 0 : i32
          %dma_start3A_481 = tpu.memref_slice %arg2[%dma_start3A_479, %dma_start3A_480] : memref<50272x2048xf32, #tpu.memory_space<hbm>> -> memref<50272x2048xf32, #tpu.memory_space<hbm>>
          %dma_start3A_482 = tpu.memref_slice %run_scoped3A_6[%dma_start3A_472] : memref<4x!tpu.dma_semaphore, #tpu.memory_space<semaphore_mem>> -> memref<1x!tpu.dma_semaphore, #tpu.memory_space<semaphore_mem>>
          %dma_start3A_483 = tpu.memref_squeeze %dma_start3A_482 : memref<1x!tpu.dma_semaphore, #tpu.memory_space<semaphore_mem>> -> memref<!tpu.dma_semaphore, #tpu.memory_space<semaphore_mem>>
          tpu.enqueue_indirect_dma source(%dma_start3A_481 : memref<50272x2048xf32, #tpu.memory_space<hbm>>) target(%dma_start3A_476 : memref<8x2048xf32, #tpu.memory_space<vmem>>) offsets(%dma_start3A_478 : memref<8xi32, #tpu.memory_space<vmem>>) semaphore(%dma_start3A_483 : memref<!tpu.dma_semaphore, #tpu.memory_space<semaphore_mem>>)
        } else {
        }
        %jit3A = arith.constant 16 : i32
        %div3A = arith.divsi %add3A_79, %jit3A : i32
        %sign3A = arith.constant 0 : i32
        %sign3A_89 = arith.cmpi sgt, %add3A_79, %sign3A : i32
        %sign3A_90 = arith.extui %sign3A_89 : i1 to i32
        %sign3A_91 = arith.constant 0 : i32
        %sign3A_92 = arith.cmpi slt, %add3A_79, %sign3A_91 : i32
        %sign3A_93 = arith.extui %sign3A_92 : i1 to i32
        %sign3A_94 = arith.subi %sign3A_90, %sign3A_93 : i32
        %sign3A_95 = arith.constant 0 : i32
        %sign3A_96 = arith.cmpi sgt, %jit3A, %sign3A_95 : i32
        %sign3A_97 = arith.extui %sign3A_96 : i1 to i32
        %sign3A_98 = arith.constant 0 : i32
        %sign3A_99 = arith.cmpi slt, %jit3A, %sign3A_98 : i32
        %sign3A_100 = arith.extui %sign3A_99 : i1 to i32
        %sign3A_101 = arith.subi %sign3A_97, %sign3A_100 : i32
        %ne3A = arith.cmpi ne, %sign3A_94, %sign3A_101 : i32
        %rem3A = arith.remsi %add3A_79, %jit3A : i32
        %ne3A_102 = arith.constant 0 : i32
        %ne3A_103 = arith.cmpi ne, %rem3A, %ne3A_102 : i32
        %and3A = arith.andi %ne3A, %ne3A_103 : i1
        %sub3A_104 = arith.constant 1 : i32
        %sub3A_105 = arith.subi %div3A, %sub3A_104 : i32
        %select_n3A = arith.select %and3A, %sub3A_105, %div3A : i32
        %jit3A_106 = arith.constant 16 : i32
        %eq3A = arith.constant 0 : i32
        %eq3A_107 = arith.cmpi eq, %jit3A_106, %eq3A : i32
        %jit3A_108 = arith.constant 1 : i32
        %select_n3A_109 = arith.select %eq3A_107, %jit3A_108, %jit3A_106 : i32
        %rem3A_110 = arith.remsi %add3A_79, %select_n3A_109 : i32
        %ne3A_111 = arith.constant 0 : i32
        %ne3A_112 = arith.cmpi ne, %rem3A_110, %ne3A_111 : i32
        %lt3A_113 = arith.constant 0 : i32
        %lt3A_114 = arith.cmpi slt, %rem3A_110, %lt3A_113 : i32
        %lt3A_115 = arith.constant 0 : i32
        %lt3A_116 = arith.cmpi slt, %select_n3A_109, %lt3A_115 : i32
        %ne3A_117 = arith.xori %lt3A_114, %lt3A_116 : i1
        %and3A_118 = arith.andi %ne3A_117, %ne3A_112 : i1
        %add3A_119 = arith.addi %rem3A_110, %select_n3A_109 : i32
        %select_n3A_120 = arith.select %and3A_118, %add3A_119, %rem3A_110 : i32
        %mul3A_121 = arith.constant 8 : i32
        %mul3A_122 = arith.muli %select_n3A_120, %mul3A_121 : i32
        %dma_wait3A_123 = arith.constant 0 : i32
        %dma_wait3A_124 = arith.constant 0 : i32
        %dma_wait3A_125 = arith.constant 0 : i32
        %dma_wait3A_126 = arith.constant 0 : i32
        %dma_wait3A_127 = tpu.memref_slice %run_scoped3A_5[%dma_wait3A_123, %dma_wait3A_125, %dma_wait3A_126] : memref<4x8x2048xf32, #tpu.memory_space<vmem>> -> memref<1x8x2048xf32, #tpu.memory_space<vmem>>
        %dma_wait3A_128 = tpu.memref_squeeze %dma_wait3A_127 : memref<1x8x2048xf32, #tpu.memory_space<vmem>> -> memref<8x2048xf32, #tpu.memory_space<vmem>>
        %dma_wait3A_129 = tpu.memref_slice %run_scoped3A[%select_n3A, %mul3A_122] : memref<32x128xi32, #tpu.memory_space<vmem>> -> memref<1x8xi32, #tpu.memory_space<vmem>>
        %dma_wait3A_130 = tpu.memref_squeeze %dma_wait3A_129 : memref<1x8xi32, #tpu.memory_space<vmem>> -> memref<8xi32, #tpu.memory_space<vmem>>
        %dma_wait3A_131 = arith.constant 0 : i32
        %dma_wait3A_132 = arith.constant 0 : i32
        %dma_wait3A_133 = tpu.memref_slice %arg2[%dma_wait3A_131, %dma_wait3A_132] : memref<50272x2048xf32, #tpu.memory_space<hbm>> -> memref<50272x2048xf32, #tpu.memory_space<hbm>>
        %dma_wait3A_134 = tpu.memref_slice %run_scoped3A_6[%dma_wait3A_124] : memref<4x!tpu.dma_semaphore, #tpu.memory_space<semaphore_mem>> -> memref<1x!tpu.dma_semaphore, #tpu.memory_space<semaphore_mem>>
        %dma_wait3A_135 = tpu.memref_squeeze %dma_wait3A_134 : memref<1x!tpu.dma_semaphore, #tpu.memory_space<semaphore_mem>> -> memref<!tpu.dma_semaphore, #tpu.memory_space<semaphore_mem>>
        tpu.wait_indirect_dma semaphore(%dma_wait3A_135 : memref<!tpu.dma_semaphore, #tpu.memory_space<semaphore_mem>>) src(%dma_wait3A_133 : memref<50272x2048xf32, #tpu.memory_space<hbm>>) dst(%dma_wait3A_128 : memref<8x2048xf32, #tpu.memory_space<vmem>>)
        %mul3A_136 = arith.constant 8 : i32
        %mul3A_137 = arith.muli %add3A_79, %mul3A_136 : i32
        %add3A_138 = arith.addi %mul3A_2, %mul3A_137 : i32
        %dma_start3A_139 = arith.constant 0 : i32
        %dma_start3A_140 = arith.constant 0 : i32
        %dma_start3A_141 = arith.constant 0 : i32
        %dma_start3A_142 = arith.constant 0 : i32
        %dma_start3A_143 = tpu.memref_slice %run_scoped3A_5[%dma_start3A_139, %dma_start3A_141, %dma_start3A_142] : memref<4x8x2048xf32, #tpu.memory_space<vmem>> -> memref<1x8x2048xf32, #tpu.memory_space<vmem>>
        %dma_start3A_144 = tpu.memref_squeeze %dma_start3A_143 : memref<1x8x2048xf32, #tpu.memory_space<vmem>> -> memref<8x2048xf32, #tpu.memory_space<vmem>>
        %dma_start3A_145 = arith.constant 0 : i32
        %dma_start3A_146 = tpu.memref_slice %arg6[%add3A_138, %dma_start3A_145] : memref<131072x2048xf32, #tpu.memory_space<hbm>> -> memref<8x2048xf32, #tpu.memory_space<hbm>>
        %dma_start3A_147 = tpu.memref_slice %run_scoped3A_7[%dma_start3A_140] : memref<4x!tpu.dma_semaphore, #tpu.memory_space<semaphore_mem>> -> memref<1x!tpu.dma_semaphore, #tpu.memory_space<semaphore_mem>>
        %dma_start3A_148 = tpu.memref_squeeze %dma_start3A_147 : memref<1x!tpu.dma_semaphore, #tpu.memory_space<semaphore_mem>> -> memref<!tpu.dma_semaphore, #tpu.memory_space<semaphore_mem>>
        %dma_start3A_149 = arith.constant 0 : i32
        %dma_start3A_150 = tpu.memref_slice %arg6[%add3A_138, %dma_start3A_149] : memref<131072x2048xf32, #tpu.memory_space<hbm>> -> memref<8x2048xf32, #tpu.memory_space<hbm>>
        %dma_start3A_151 = arith.constant 0 : i32
        %dma_start3A_152 = arith.constant 0 : i32
        %dma_start3A_153 = tpu.memref_slice %run_scoped3A_5[%dma_start3A_139, %dma_start3A_151, %dma_start3A_152] : memref<4x8x2048xf32, #tpu.memory_space<vmem>> -> memref<1x8x2048xf32, #tpu.memory_space<vmem>>
        %dma_start3A_154 = tpu.memref_squeeze %dma_start3A_153 : memref<1x8x2048xf32, #tpu.memory_space<vmem>> -> memref<8x2048xf32, #tpu.memory_space<vmem>>
        tpu.enqueue_dma source(%dma_start3A_154 : memref<8x2048xf32, #tpu.memory_space<vmem>>) target(%dma_start3A_150 : memref<8x2048xf32, #tpu.memory_space<hbm>>) target_semaphore(%dma_start3A_148 : memref<!tpu.dma_semaphore, #tpu.memory_space<semaphore_mem>>)
        %add3A_155 = arith.constant 1 : i32
        %add3A_156 = arith.addi %add3A_77, %add3A_155 : i32
        %ge3A_157 = arith.constant 1 : i32
        %ge3A_158 = arith.cmpi sge, %add3A_156, %ge3A_157 : i32
        %convert_element_type3A_159 = arith.extui %ge3A_158 : i1 to i32
        %cond3A_160 = arith.constant 0 : i32
        %cond3A_161 = arith.cmpi ne, %convert_element_type3A_159, %cond3A_160 : i32
        scf.if %cond3A_161 {
          %sub3A_425 = arith.constant 1 : i32
          %sub3A_426 = arith.subi %add3A_156, %sub3A_425 : i32
          %mul3A_427 = arith.constant 8 : i32
          %mul3A_428 = arith.muli %sub3A_426, %mul3A_427 : i32
          %add3A_429 = arith.addi %mul3A_2, %mul3A_428 : i32
          %dma_wait3A_430 = arith.constant 0 : i32
          %dma_wait3A_431 = arith.constant 0 : i32
          %dma_wait3A_432 = arith.constant 0 : i32
          %dma_wait3A_433 = arith.constant 0 : i32
          %dma_wait3A_434 = tpu.memref_slice %run_scoped3A_5[%dma_wait3A_430, %dma_wait3A_432, %dma_wait3A_433] : memref<4x8x2048xf32, #tpu.memory_space<vmem>> -> memref<1x8x2048xf32, #tpu.memory_space<vmem>>
          %dma_wait3A_435 = tpu.memref_squeeze %dma_wait3A_434 : memref<1x8x2048xf32, #tpu.memory_space<vmem>> -> memref<8x2048xf32, #tpu.memory_space<vmem>>
          %dma_wait3A_436 = arith.constant 0 : i32
          %dma_wait3A_437 = tpu.memref_slice %arg6[%add3A_429, %dma_wait3A_436] : memref<131072x2048xf32, #tpu.memory_space<hbm>> -> memref<8x2048xf32, #tpu.memory_space<hbm>>
          %dma_wait3A_438 = tpu.memref_slice %run_scoped3A_7[%dma_wait3A_431] : memref<4x!tpu.dma_semaphore, #tpu.memory_space<semaphore_mem>> -> memref<1x!tpu.dma_semaphore, #tpu.memory_space<semaphore_mem>>
          %dma_wait3A_439 = tpu.memref_squeeze %dma_wait3A_438 : memref<1x!tpu.dma_semaphore, #tpu.memory_space<semaphore_mem>> -> memref<!tpu.dma_semaphore, #tpu.memory_space<semaphore_mem>>
          %dma_wait3A_440 = arith.constant 0 : i32
          %dma_wait3A_441 = tpu.memref_slice %arg6[%add3A_429, %dma_wait3A_440] : memref<131072x2048xf32, #tpu.memory_space<hbm>> -> memref<8x2048xf32, #tpu.memory_space<hbm>>
          %dma_wait3A_442 = arith.constant 0 : i32
          %dma_wait3A_443 = arith.constant 0 : i32
          %dma_wait3A_444 = tpu.memref_slice %run_scoped3A_5[%dma_wait3A_430, %dma_wait3A_442, %dma_wait3A_443] : memref<4x8x2048xf32, #tpu.memory_space<vmem>> -> memref<1x8x2048xf32, #tpu.memory_space<vmem>>
          %dma_wait3A_445 = tpu.memref_squeeze %dma_wait3A_444 : memref<1x8x2048xf32, #tpu.memory_space<vmem>> -> memref<8x2048xf32, #tpu.memory_space<vmem>>
          tpu.wait_dma2 semaphore(%dma_wait3A_439 : memref<!tpu.dma_semaphore, #tpu.memory_space<semaphore_mem>>) src(%dma_wait3A_445 : memref<8x2048xf32, #tpu.memory_space<vmem>>) dst(%dma_wait3A_441 : memref<8x2048xf32, #tpu.memory_space<hbm>>)
        } else {
        }
        %add3A_162 = arith.constant 4 : i32
        %add3A_163 = arith.addi %add3A_156, %add3A_162 : i32
        %sub3A_164 = arith.constant 1 : i32
        %sub3A_165 = arith.subi %add3A_163, %sub3A_164 : i32
        %lt3A_166 = arith.constant 512 : i32
        %lt3A_167 = arith.cmpi slt, %sub3A_165, %lt3A_166 : i32
        %convert_element_type3A_168 = arith.extui %lt3A_167 : i1 to i32
        %cond3A_169 = arith.constant 0 : i32
        %cond3A_170 = arith.cmpi ne, %convert_element_type3A_168, %cond3A_169 : i32
        scf.if %cond3A_170 {
          %add3A_425 = arith.constant 4 : i32
          %add3A_426 = arith.addi %add3A_156, %add3A_425 : i32
          %sub3A_427 = arith.constant 1 : i32
          %sub3A_428 = arith.subi %add3A_426, %sub3A_427 : i32
          %jit3A_429 = arith.constant 16 : i32
          %div3A_430 = arith.divsi %sub3A_428, %jit3A_429 : i32
          %sign3A_431 = arith.constant 0 : i32
          %sign3A_432 = arith.cmpi sgt, %sub3A_428, %sign3A_431 : i32
          %sign3A_433 = arith.extui %sign3A_432 : i1 to i32
          %sign3A_434 = arith.constant 0 : i32
          %sign3A_435 = arith.cmpi slt, %sub3A_428, %sign3A_434 : i32
          %sign3A_436 = arith.extui %sign3A_435 : i1 to i32
          %sign3A_437 = arith.subi %sign3A_433, %sign3A_436 : i32
          %sign3A_438 = arith.constant 0 : i32
          %sign3A_439 = arith.cmpi sgt, %jit3A_429, %sign3A_438 : i32
          %sign3A_440 = arith.extui %sign3A_439 : i1 to i32
          %sign3A_441 = arith.constant 0 : i32
          %sign3A_442 = arith.cmpi slt, %jit3A_429, %sign3A_441 : i32
          %sign3A_443 = arith.extui %sign3A_442 : i1 to i32
          %sign3A_444 = arith.subi %sign3A_440, %sign3A_443 : i32
          %ne3A_445 = arith.cmpi ne, %sign3A_437, %sign3A_444 : i32
          %rem3A_446 = arith.remsi %sub3A_428, %jit3A_429 : i32
          %ne3A_447 = arith.constant 0 : i32
          %ne3A_448 = arith.cmpi ne, %rem3A_446, %ne3A_447 : i32
          %and3A_449 = arith.andi %ne3A_445, %ne3A_448 : i1
          %sub3A_450 = arith.constant 1 : i32
          %sub3A_451 = arith.subi %div3A_430, %sub3A_450 : i32
          %select_n3A_452 = arith.select %and3A_449, %sub3A_451, %div3A_430 : i32
          %jit3A_453 = arith.constant 16 : i32
          %eq3A_454 = arith.constant 0 : i32
          %eq3A_455 = arith.cmpi eq, %jit3A_453, %eq3A_454 : i32
          %jit3A_456 = arith.constant 1 : i32
          %select_n3A_457 = arith.select %eq3A_455, %jit3A_456, %jit3A_453 : i32
          %rem3A_458 = arith.remsi %sub3A_428, %select_n3A_457 : i32
          %ne3A_459 = arith.constant 0 : i32
          %ne3A_460 = arith.cmpi ne, %rem3A_458, %ne3A_459 : i32
          %lt3A_461 = arith.constant 0 : i32
          %lt3A_462 = arith.cmpi slt, %rem3A_458, %lt3A_461 : i32
          %lt3A_463 = arith.constant 0 : i32
          %lt3A_464 = arith.cmpi slt, %select_n3A_457, %lt3A_463 : i32
          %ne3A_465 = arith.xori %lt3A_462, %lt3A_464 : i1
          %and3A_466 = arith.andi %ne3A_465, %ne3A_460 : i1
          %add3A_467 = arith.addi %rem3A_458, %select_n3A_457 : i32
          %select_n3A_468 = arith.select %and3A_466, %add3A_467, %rem3A_458 : i32
          %mul3A_469 = arith.constant 8 : i32
          %mul3A_470 = arith.muli %select_n3A_468, %mul3A_469 : i32
          %dma_start3A_471 = arith.constant 0 : i32
          %dma_start3A_472 = arith.constant 0 : i32
          %dma_start3A_473 = arith.constant 0 : i32
          %dma_start3A_474 = arith.constant 0 : i32
          %dma_start3A_475 = tpu.memref_slice %run_scoped3A_5[%dma_start3A_471, %dma_start3A_473, %dma_start3A_474] : memref<4x8x2048xf32, #tpu.memory_space<vmem>> -> memref<1x8x2048xf32, #tpu.memory_space<vmem>>
          %dma_start3A_476 = tpu.memref_squeeze %dma_start3A_475 : memref<1x8x2048xf32, #tpu.memory_space<vmem>> -> memref<8x2048xf32, #tpu.memory_space<vmem>>
          %dma_start3A_477 = tpu.memref_slice %run_scoped3A[%select_n3A_452, %mul3A_470] : memref<32x128xi32, #tpu.memory_space<vmem>> -> memref<1x8xi32, #tpu.memory_space<vmem>>
          %dma_start3A_478 = tpu.memref_squeeze %dma_start3A_477 : memref<1x8xi32, #tpu.memory_space<vmem>> -> memref<8xi32, #tpu.memory_space<vmem>>
          %dma_start3A_479 = arith.constant 0 : i32
          %dma_start3A_480 = arith.constant 0 : i32
          %dma_start3A_481 = tpu.memref_slice %arg2[%dma_start3A_479, %dma_start3A_480] : memref<50272x2048xf32, #tpu.memory_space<hbm>> -> memref<50272x2048xf32, #tpu.memory_space<hbm>>
          %dma_start3A_482 = tpu.memref_slice %run_scoped3A_6[%dma_start3A_472] : memref<4x!tpu.dma_semaphore, #tpu.memory_space<semaphore_mem>> -> memref<1x!tpu.dma_semaphore, #tpu.memory_space<semaphore_mem>>
          %dma_start3A_483 = tpu.memref_squeeze %dma_start3A_482 : memref<1x!tpu.dma_semaphore, #tpu.memory_space<semaphore_mem>> -> memref<!tpu.dma_semaphore, #tpu.memory_space<semaphore_mem>>
          tpu.enqueue_indirect_dma source(%dma_start3A_481 : memref<50272x2048xf32, #tpu.memory_space<hbm>>) target(%dma_start3A_476 : memref<8x2048xf32, #tpu.memory_space<vmem>>) offsets(%dma_start3A_478 : memref<8xi32, #tpu.memory_space<vmem>>) semaphore(%dma_start3A_483 : memref<!tpu.dma_semaphore, #tpu.memory_space<semaphore_mem>>)
        } else {
        }
        %jit3A_171 = arith.constant 16 : i32
        %div3A_172 = arith.divsi %add3A_156, %jit3A_171 : i32
        %sign3A_173 = arith.constant 0 : i32
        %sign3A_174 = arith.cmpi sgt, %add3A_156, %sign3A_173 : i32
        %sign3A_175 = arith.extui %sign3A_174 : i1 to i32
        %sign3A_176 = arith.constant 0 : i32
        %sign3A_177 = arith.cmpi slt, %add3A_156, %sign3A_176 : i32
        %sign3A_178 = arith.extui %sign3A_177 : i1 to i32
        %sign3A_179 = arith.subi %sign3A_175, %sign3A_178 : i32
        %sign3A_180 = arith.constant 0 : i32
        %sign3A_181 = arith.cmpi sgt, %jit3A_171, %sign3A_180 : i32
        %sign3A_182 = arith.extui %sign3A_181 : i1 to i32
        %sign3A_183 = arith.constant 0 : i32
        %sign3A_184 = arith.cmpi slt, %jit3A_171, %sign3A_183 : i32
        %sign3A_185 = arith.extui %sign3A_184 : i1 to i32
        %sign3A_186 = arith.subi %sign3A_182, %sign3A_185 : i32
        %ne3A_187 = arith.cmpi ne, %sign3A_179, %sign3A_186 : i32
        %rem3A_188 = arith.remsi %add3A_156, %jit3A_171 : i32
        %ne3A_189 = arith.constant 0 : i32
        %ne3A_190 = arith.cmpi ne, %rem3A_188, %ne3A_189 : i32
        %and3A_191 = arith.andi %ne3A_187, %ne3A_190 : i1
        %sub3A_192 = arith.constant 1 : i32
        %sub3A_193 = arith.subi %div3A_172, %sub3A_192 : i32
        %select_n3A_194 = arith.select %and3A_191, %sub3A_193, %div3A_172 : i32
        %jit3A_195 = arith.constant 16 : i32
        %eq3A_196 = arith.constant 0 : i32
        %eq3A_197 = arith.cmpi eq, %jit3A_195, %eq3A_196 : i32
        %jit3A_198 = arith.constant 1 : i32
        %select_n3A_199 = arith.select %eq3A_197, %jit3A_198, %jit3A_195 : i32
        %rem3A_200 = arith.remsi %add3A_156, %select_n3A_199 : i32
        %ne3A_201 = arith.constant 0 : i32
        %ne3A_202 = arith.cmpi ne, %rem3A_200, %ne3A_201 : i32
        %lt3A_203 = arith.constant 0 : i32
        %lt3A_204 = arith.cmpi slt, %rem3A_200, %lt3A_203 : i32
        %lt3A_205 = arith.constant 0 : i32
        %lt3A_206 = arith.cmpi slt, %select_n3A_199, %lt3A_205 : i32
        %ne3A_207 = arith.xori %lt3A_204, %lt3A_206 : i1
        %and3A_208 = arith.andi %ne3A_207, %ne3A_202 : i1
        %add3A_209 = arith.addi %rem3A_200, %select_n3A_199 : i32
        %select_n3A_210 = arith.select %and3A_208, %add3A_209, %rem3A_200 : i32
        %mul3A_211 = arith.constant 8 : i32
        %mul3A_212 = arith.muli %select_n3A_210, %mul3A_211 : i32
        %dma_wait3A_213 = arith.constant 1 : i32
        %dma_wait3A_214 = arith.constant 1 : i32
        %dma_wait3A_215 = arith.constant 0 : i32
        %dma_wait3A_216 = arith.constant 0 : i32
        %dma_wait3A_217 = tpu.memref_slice %run_scoped3A_5[%dma_wait3A_213, %dma_wait3A_215, %dma_wait3A_216] : memref<4x8x2048xf32, #tpu.memory_space<vmem>> -> memref<1x8x2048xf32, #tpu.memory_space<vmem>>
        %dma_wait3A_218 = tpu.memref_squeeze %dma_wait3A_217 : memref<1x8x2048xf32, #tpu.memory_space<vmem>> -> memref<8x2048xf32, #tpu.memory_space<vmem>>
        %dma_wait3A_219 = tpu.memref_slice %run_scoped3A[%select_n3A_194, %mul3A_212] : memref<32x128xi32, #tpu.memory_space<vmem>> -> memref<1x8xi32, #tpu.memory_space<vmem>>
        %dma_wait3A_220 = tpu.memref_squeeze %dma_wait3A_219 : memref<1x8xi32, #tpu.memory_space<vmem>> -> memref<8xi32, #tpu.memory_space<vmem>>
        %dma_wait3A_221 = arith.constant 0 : i32
        %dma_wait3A_222 = arith.constant 0 : i32
        %dma_wait3A_223 = tpu.memref_slice %arg2[%dma_wait3A_221, %dma_wait3A_222] : memref<50272x2048xf32, #tpu.memory_space<hbm>> -> memref<50272x2048xf32, #tpu.memory_space<hbm>>
        %dma_wait3A_224 = tpu.memref_slice %run_scoped3A_6[%dma_wait3A_214] : memref<4x!tpu.dma_semaphore, #tpu.memory_space<semaphore_mem>> -> memref<1x!tpu.dma_semaphore, #tpu.memory_space<semaphore_mem>>
        %dma_wait3A_225 = tpu.memref_squeeze %dma_wait3A_224 : memref<1x!tpu.dma_semaphore, #tpu.memory_space<semaphore_mem>> -> memref<!tpu.dma_semaphore, #tpu.memory_space<semaphore_mem>>
        tpu.wait_indirect_dma semaphore(%dma_wait3A_225 : memref<!tpu.dma_semaphore, #tpu.memory_space<semaphore_mem>>) src(%dma_wait3A_223 : memref<50272x2048xf32, #tpu.memory_space<hbm>>) dst(%dma_wait3A_218 : memref<8x2048xf32, #tpu.memory_space<vmem>>)
        %mul3A_226 = arith.constant 8 : i32
        %mul3A_227 = arith.muli %add3A_156, %mul3A_226 : i32
        %add3A_228 = arith.addi %mul3A_2, %mul3A_227 : i32
        %dma_start3A_229 = arith.constant 1 : i32
        %dma_start3A_230 = arith.constant 1 : i32
        %dma_start3A_231 = arith.constant 0 : i32
        %dma_start3A_232 = arith.constant 0 : i32
        %dma_start3A_233 = tpu.memref_slice %run_scoped3A_5[%dma_start3A_229, %dma_start3A_231, %dma_start3A_232] : memref<4x8x2048xf32, #tpu.memory_space<vmem>> -> memref<1x8x2048xf32, #tpu.memory_space<vmem>>
        %dma_start3A_234 = tpu.memref_squeeze %dma_start3A_233 : memref<1x8x2048xf32, #tpu.memory_space<vmem>> -> memref<8x2048xf32, #tpu.memory_space<vmem>>
        %dma_start3A_235 = arith.constant 0 : i32
        %dma_start3A_236 = tpu.memref_slice %arg6[%add3A_228, %dma_start3A_235] : memref<131072x2048xf32, #tpu.memory_space<hbm>> -> memref<8x2048xf32, #tpu.memory_space<hbm>>
        %dma_start3A_237 = tpu.memref_slice %run_scoped3A_7[%dma_start3A_230] : memref<4x!tpu.dma_semaphore, #tpu.memory_space<semaphore_mem>> -> memref<1x!tpu.dma_semaphore, #tpu.memory_space<semaphore_mem>>
        %dma_start3A_238 = tpu.memref_squeeze %dma_start3A_237 : memref<1x!tpu.dma_semaphore, #tpu.memory_space<semaphore_mem>> -> memref<!tpu.dma_semaphore, #tpu.memory_space<semaphore_mem>>
        %dma_start3A_239 = arith.constant 0 : i32
        %dma_start3A_240 = tpu.memref_slice %arg6[%add3A_228, %dma_start3A_239] : memref<131072x2048xf32, #tpu.memory_space<hbm>> -> memref<8x2048xf32, #tpu.memory_space<hbm>>
        %dma_start3A_241 = arith.constant 0 : i32
        %dma_start3A_242 = arith.constant 0 : i32
        %dma_start3A_243 = tpu.memref_slice %run_scoped3A_5[%dma_start3A_229, %dma_start3A_241, %dma_start3A_242] : memref<4x8x2048xf32, #tpu.memory_space<vmem>> -> memref<1x8x2048xf32, #tpu.memory_space<vmem>>
        %dma_start3A_244 = tpu.memref_squeeze %dma_start3A_243 : memref<1x8x2048xf32, #tpu.memory_space<vmem>> -> memref<8x2048xf32, #tpu.memory_space<vmem>>
        tpu.enqueue_dma source(%dma_start3A_244 : memref<8x2048xf32, #tpu.memory_space<vmem>>) target(%dma_start3A_240 : memref<8x2048xf32, #tpu.memory_space<hbm>>) target_semaphore(%dma_start3A_238 : memref<!tpu.dma_semaphore, #tpu.memory_space<semaphore_mem>>)
        %add3A_245 = arith.constant 2 : i32
        %add3A_246 = arith.addi %add3A_77, %add3A_245 : i32
        %ge3A_247 = arith.constant 1 : i32
        %ge3A_248 = arith.cmpi sge, %add3A_246, %ge3A_247 : i32
        %convert_element_type3A_249 = arith.extui %ge3A_248 : i1 to i32
        %cond3A_250 = arith.constant 0 : i32
        %cond3A_251 = arith.cmpi ne, %convert_element_type3A_249, %cond3A_250 : i32
        scf.if %cond3A_251 {
          %sub3A_425 = arith.constant 1 : i32
          %sub3A_426 = arith.subi %add3A_246, %sub3A_425 : i32
          %mul3A_427 = arith.constant 8 : i32
          %mul3A_428 = arith.muli %sub3A_426, %mul3A_427 : i32
          %add3A_429 = arith.addi %mul3A_2, %mul3A_428 : i32
          %dma_wait3A_430 = arith.constant 1 : i32
          %dma_wait3A_431 = arith.constant 1 : i32
          %dma_wait3A_432 = arith.constant 0 : i32
          %dma_wait3A_433 = arith.constant 0 : i32
          %dma_wait3A_434 = tpu.memref_slice %run_scoped3A_5[%dma_wait3A_430, %dma_wait3A_432, %dma_wait3A_433] : memref<4x8x2048xf32, #tpu.memory_space<vmem>> -> memref<1x8x2048xf32, #tpu.memory_space<vmem>>
          %dma_wait3A_435 = tpu.memref_squeeze %dma_wait3A_434 : memref<1x8x2048xf32, #tpu.memory_space<vmem>> -> memref<8x2048xf32, #tpu.memory_space<vmem>>
          %dma_wait3A_436 = arith.constant 0 : i32
          %dma_wait3A_437 = tpu.memref_slice %arg6[%add3A_429, %dma_wait3A_436] : memref<131072x2048xf32, #tpu.memory_space<hbm>> -> memref<8x2048xf32, #tpu.memory_space<hbm>>
          %dma_wait3A_438 = tpu.memref_slice %run_scoped3A_7[%dma_wait3A_431] : memref<4x!tpu.dma_semaphore, #tpu.memory_space<semaphore_mem>> -> memref<1x!tpu.dma_semaphore, #tpu.memory_space<semaphore_mem>>
          %dma_wait3A_439 = tpu.memref_squeeze %dma_wait3A_438 : memref<1x!tpu.dma_semaphore, #tpu.memory_space<semaphore_mem>> -> memref<!tpu.dma_semaphore, #tpu.memory_space<semaphore_mem>>
          %dma_wait3A_440 = arith.constant 0 : i32
          %dma_wait3A_441 = tpu.memref_slice %arg6[%add3A_429, %dma_wait3A_440] : memref<131072x2048xf32, #tpu.memory_space<hbm>> -> memref<8x2048xf32, #tpu.memory_space<hbm>>
          %dma_wait3A_442 = arith.constant 0 : i32
          %dma_wait3A_443 = arith.constant 0 : i32
          %dma_wait3A_444 = tpu.memref_slice %run_scoped3A_5[%dma_wait3A_430, %dma_wait3A_442, %dma_wait3A_443] : memref<4x8x2048xf32, #tpu.memory_space<vmem>> -> memref<1x8x2048xf32, #tpu.memory_space<vmem>>
          %dma_wait3A_445 = tpu.memref_squeeze %dma_wait3A_444 : memref<1x8x2048xf32, #tpu.memory_space<vmem>> -> memref<8x2048xf32, #tpu.memory_space<vmem>>
          tpu.wait_dma2 semaphore(%dma_wait3A_439 : memref<!tpu.dma_semaphore, #tpu.memory_space<semaphore_mem>>) src(%dma_wait3A_445 : memref<8x2048xf32, #tpu.memory_space<vmem>>) dst(%dma_wait3A_441 : memref<8x2048xf32, #tpu.memory_space<hbm>>)
        } else {
        }
        %add3A_252 = arith.constant 4 : i32
        %add3A_253 = arith.addi %add3A_246, %add3A_252 : i32
        %sub3A_254 = arith.constant 1 : i32
        %sub3A_255 = arith.subi %add3A_253, %sub3A_254 : i32
        %lt3A_256 = arith.constant 512 : i32
        %lt3A_257 = arith.cmpi slt, %sub3A_255, %lt3A_256 : i32
        %convert_element_type3A_258 = arith.extui %lt3A_257 : i1 to i32
        %cond3A_259 = arith.constant 0 : i32
        %cond3A_260 = arith.cmpi ne, %convert_element_type3A_258, %cond3A_259 : i32
        scf.if %cond3A_260 {
          %add3A_425 = arith.constant 4 : i32
          %add3A_426 = arith.addi %add3A_246, %add3A_425 : i32
          %sub3A_427 = arith.constant 1 : i32
          %sub3A_428 = arith.subi %add3A_426, %sub3A_427 : i32
          %jit3A_429 = arith.constant 16 : i32
          %div3A_430 = arith.divsi %sub3A_428, %jit3A_429 : i32
          %sign3A_431 = arith.constant 0 : i32
          %sign3A_432 = arith.cmpi sgt, %sub3A_428, %sign3A_431 : i32
          %sign3A_433 = arith.extui %sign3A_432 : i1 to i32
          %sign3A_434 = arith.constant 0 : i32
          %sign3A_435 = arith.cmpi slt, %sub3A_428, %sign3A_434 : i32
          %sign3A_436 = arith.extui %sign3A_435 : i1 to i32
          %sign3A_437 = arith.subi %sign3A_433, %sign3A_436 : i32
          %sign3A_438 = arith.constant 0 : i32
          %sign3A_439 = arith.cmpi sgt, %jit3A_429, %sign3A_438 : i32
          %sign3A_440 = arith.extui %sign3A_439 : i1 to i32
          %sign3A_441 = arith.constant 0 : i32
          %sign3A_442 = arith.cmpi slt, %jit3A_429, %sign3A_441 : i32
          %sign3A_443 = arith.extui %sign3A_442 : i1 to i32
          %sign3A_444 = arith.subi %sign3A_440, %sign3A_443 : i32
          %ne3A_445 = arith.cmpi ne, %sign3A_437, %sign3A_444 : i32
          %rem3A_446 = arith.remsi %sub3A_428, %jit3A_429 : i32
          %ne3A_447 = arith.constant 0 : i32
          %ne3A_448 = arith.cmpi ne, %rem3A_446, %ne3A_447 : i32
          %and3A_449 = arith.andi %ne3A_445, %ne3A_448 : i1
          %sub3A_450 = arith.constant 1 : i32
          %sub3A_451 = arith.subi %div3A_430, %sub3A_450 : i32
          %select_n3A_452 = arith.select %and3A_449, %sub3A_451, %div3A_430 : i32
          %jit3A_453 = arith.constant 16 : i32
          %eq3A_454 = arith.constant 0 : i32
          %eq3A_455 = arith.cmpi eq, %jit3A_453, %eq3A_454 : i32
          %jit3A_456 = arith.constant 1 : i32
          %select_n3A_457 = arith.select %eq3A_455, %jit3A_456, %jit3A_453 : i32
          %rem3A_458 = arith.remsi %sub3A_428, %select_n3A_457 : i32
          %ne3A_459 = arith.constant 0 : i32
          %ne3A_460 = arith.cmpi ne, %rem3A_458, %ne3A_459 : i32
          %lt3A_461 = arith.constant 0 : i32
          %lt3A_462 = arith.cmpi slt, %rem3A_458, %lt3A_461 : i32
          %lt3A_463 = arith.constant 0 : i32
          %lt3A_464 = arith.cmpi slt, %select_n3A_457, %lt3A_463 : i32
          %ne3A_465 = arith.xori %lt3A_462, %lt3A_464 : i1
          %and3A_466 = arith.andi %ne3A_465, %ne3A_460 : i1
          %add3A_467 = arith.addi %rem3A_458, %select_n3A_457 : i32
          %select_n3A_468 = arith.select %and3A_466, %add3A_467, %rem3A_458 : i32
          %mul3A_469 = arith.constant 8 : i32
          %mul3A_470 = arith.muli %select_n3A_468, %mul3A_469 : i32
          %dma_start3A_471 = arith.constant 1 : i32
          %dma_start3A_472 = arith.constant 1 : i32
          %dma_start3A_473 = arith.constant 0 : i32
          %dma_start3A_474 = arith.constant 0 : i32
          %dma_start3A_475 = tpu.memref_slice %run_scoped3A_5[%dma_start3A_471, %dma_start3A_473, %dma_start3A_474] : memref<4x8x2048xf32, #tpu.memory_space<vmem>> -> memref<1x8x2048xf32, #tpu.memory_space<vmem>>
          %dma_start3A_476 = tpu.memref_squeeze %dma_start3A_475 : memref<1x8x2048xf32, #tpu.memory_space<vmem>> -> memref<8x2048xf32, #tpu.memory_space<vmem>>
          %dma_start3A_477 = tpu.memref_slice %run_scoped3A[%select_n3A_452, %mul3A_470] : memref<32x128xi32, #tpu.memory_space<vmem>> -> memref<1x8xi32, #tpu.memory_space<vmem>>
          %dma_start3A_478 = tpu.memref_squeeze %dma_start3A_477 : memref<1x8xi32, #tpu.memory_space<vmem>> -> memref<8xi32, #tpu.memory_space<vmem>>
          %dma_start3A_479 = arith.constant 0 : i32
          %dma_start3A_480 = arith.constant 0 : i32
          %dma_start3A_481 = tpu.memref_slice %arg2[%dma_start3A_479, %dma_start3A_480] : memref<50272x2048xf32, #tpu.memory_space<hbm>> -> memref<50272x2048xf32, #tpu.memory_space<hbm>>
          %dma_start3A_482 = tpu.memref_slice %run_scoped3A_6[%dma_start3A_472] : memref<4x!tpu.dma_semaphore, #tpu.memory_space<semaphore_mem>> -> memref<1x!tpu.dma_semaphore, #tpu.memory_space<semaphore_mem>>
          %dma_start3A_483 = tpu.memref_squeeze %dma_start3A_482 : memref<1x!tpu.dma_semaphore, #tpu.memory_space<semaphore_mem>> -> memref<!tpu.dma_semaphore, #tpu.memory_space<semaphore_mem>>
          tpu.enqueue_indirect_dma source(%dma_start3A_481 : memref<50272x2048xf32, #tpu.memory_space<hbm>>) target(%dma_start3A_476 : memref<8x2048xf32, #tpu.memory_space<vmem>>) offsets(%dma_start3A_478 : memref<8xi32, #tpu.memory_space<vmem>>) semaphore(%dma_start3A_483 : memref<!tpu.dma_semaphore, #tpu.memory_space<semaphore_mem>>)
        } else {
        }
        %jit3A_261 = arith.constant 16 : i32
        %div3A_262 = arith.divsi %add3A_246, %jit3A_261 : i32
        %sign3A_263 = arith.constant 0 : i32
        %sign3A_264 = arith.cmpi sgt, %add3A_246, %sign3A_263 : i32
        %sign3A_265 = arith.extui %sign3A_264 : i1 to i32
        %sign3A_266 = arith.constant 0 : i32
        %sign3A_267 = arith.cmpi slt, %add3A_246, %sign3A_266 : i32
        %sign3A_268 = arith.extui %sign3A_267 : i1 to i32
        %sign3A_269 = arith.subi %sign3A_265, %sign3A_268 : i32
        %sign3A_270 = arith.constant 0 : i32
        %sign3A_271 = arith.cmpi sgt, %jit3A_261, %sign3A_270 : i32
        %sign3A_272 = arith.extui %sign3A_271 : i1 to i32
        %sign3A_273 = arith.constant 0 : i32
        %sign3A_274 = arith.cmpi slt, %jit3A_261, %sign3A_273 : i32
        %sign3A_275 = arith.extui %sign3A_274 : i1 to i32
        %sign3A_276 = arith.subi %sign3A_272, %sign3A_275 : i32
        %ne3A_277 = arith.cmpi ne, %sign3A_269, %sign3A_276 : i32
        %rem3A_278 = arith.remsi %add3A_246, %jit3A_261 : i32
        %ne3A_279 = arith.constant 0 : i32
        %ne3A_280 = arith.cmpi ne, %rem3A_278, %ne3A_279 : i32
        %and3A_281 = arith.andi %ne3A_277, %ne3A_280 : i1
        %sub3A_282 = arith.constant 1 : i32
        %sub3A_283 = arith.subi %div3A_262, %sub3A_282 : i32
        %select_n3A_284 = arith.select %and3A_281, %sub3A_283, %div3A_262 : i32
        %jit3A_285 = arith.constant 16 : i32
        %eq3A_286 = arith.constant 0 : i32
        %eq3A_287 = arith.cmpi eq, %jit3A_285, %eq3A_286 : i32
        %jit3A_288 = arith.constant 1 : i32
        %select_n3A_289 = arith.select %eq3A_287, %jit3A_288, %jit3A_285 : i32
        %rem3A_290 = arith.remsi %add3A_246, %select_n3A_289 : i32
        %ne3A_291 = arith.constant 0 : i32
        %ne3A_292 = arith.cmpi ne, %rem3A_290, %ne3A_291 : i32
        %lt3A_293 = arith.constant 0 : i32
        %lt3A_294 = arith.cmpi slt, %rem3A_290, %lt3A_293 : i32
        %lt3A_295 = arith.constant 0 : i32
        %lt3A_296 = arith.cmpi slt, %select_n3A_289, %lt3A_295 : i32
        %ne3A_297 = arith.xori %lt3A_294, %lt3A_296 : i1
        %and3A_298 = arith.andi %ne3A_297, %ne3A_292 : i1
        %add3A_299 = arith.addi %rem3A_290, %select_n3A_289 : i32
        %select_n3A_300 = arith.select %and3A_298, %add3A_299, %rem3A_290 : i32
        %mul3A_301 = arith.constant 8 : i32
        %mul3A_302 = arith.muli %select_n3A_300, %mul3A_301 : i32
        %dma_wait3A_303 = arith.constant 2 : i32
        %dma_wait3A_304 = arith.constant 2 : i32
        %dma_wait3A_305 = arith.constant 0 : i32
        %dma_wait3A_306 = arith.constant 0 : i32
        %dma_wait3A_307 = tpu.memref_slice %run_scoped3A_5[%dma_wait3A_303, %dma_wait3A_305, %dma_wait3A_306] : memref<4x8x2048xf32, #tpu.memory_space<vmem>> -> memref<1x8x2048xf32, #tpu.memory_space<vmem>>
        %dma_wait3A_308 = tpu.memref_squeeze %dma_wait3A_307 : memref<1x8x2048xf32, #tpu.memory_space<vmem>> -> memref<8x2048xf32, #tpu.memory_space<vmem>>
        %dma_wait3A_309 = tpu.memref_slice %run_scoped3A[%select_n3A_284, %mul3A_302] : memref<32x128xi32, #tpu.memory_space<vmem>> -> memref<1x8xi32, #tpu.memory_space<vmem>>
        %dma_wait3A_310 = tpu.memref_squeeze %dma_wait3A_309 : memref<1x8xi32, #tpu.memory_space<vmem>> -> memref<8xi32, #tpu.memory_space<vmem>>
        %dma_wait3A_311 = arith.constant 0 : i32
        %dma_wait3A_312 = arith.constant 0 : i32
        %dma_wait3A_313 = tpu.memref_slice %arg2[%dma_wait3A_311, %dma_wait3A_312] : memref<50272x2048xf32, #tpu.memory_space<hbm>> -> memref<50272x2048xf32, #tpu.memory_space<hbm>>
        %dma_wait3A_314 = tpu.memref_slice %run_scoped3A_6[%dma_wait3A_304] : memref<4x!tpu.dma_semaphore, #tpu.memory_space<semaphore_mem>> -> memref<1x!tpu.dma_semaphore, #tpu.memory_space<semaphore_mem>>
        %dma_wait3A_315 = tpu.memref_squeeze %dma_wait3A_314 : memref<1x!tpu.dma_semaphore, #tpu.memory_space<semaphore_mem>> -> memref<!tpu.dma_semaphore, #tpu.memory_space<semaphore_mem>>
        tpu.wait_indirect_dma semaphore(%dma_wait3A_315 : memref<!tpu.dma_semaphore, #tpu.memory_space<semaphore_mem>>) src(%dma_wait3A_313 : memref<50272x2048xf32, #tpu.memory_space<hbm>>) dst(%dma_wait3A_308 : memref<8x2048xf32, #tpu.memory_space<vmem>>)
        %mul3A_316 = arith.constant 8 : i32
        %mul3A_317 = arith.muli %add3A_246, %mul3A_316 : i32
        %add3A_318 = arith.addi %mul3A_2, %mul3A_317 : i32
        %dma_start3A_319 = arith.constant 2 : i32
        %dma_start3A_320 = arith.constant 2 : i32
        %dma_start3A_321 = arith.constant 0 : i32
        %dma_start3A_322 = arith.constant 0 : i32
        %dma_start3A_323 = tpu.memref_slice %run_scoped3A_5[%dma_start3A_319, %dma_start3A_321, %dma_start3A_322] : memref<4x8x2048xf32, #tpu.memory_space<vmem>> -> memref<1x8x2048xf32, #tpu.memory_space<vmem>>
        %dma_start3A_324 = tpu.memref_squeeze %dma_start3A_323 : memref<1x8x2048xf32, #tpu.memory_space<vmem>> -> memref<8x2048xf32, #tpu.memory_space<vmem>>
        %dma_start3A_325 = arith.constant 0 : i32
        %dma_start3A_326 = tpu.memref_slice %arg6[%add3A_318, %dma_start3A_325] : memref<131072x2048xf32, #tpu.memory_space<hbm>> -> memref<8x2048xf32, #tpu.memory_space<hbm>>
        %dma_start3A_327 = tpu.memref_slice %run_scoped3A_7[%dma_start3A_320] : memref<4x!tpu.dma_semaphore, #tpu.memory_space<semaphore_mem>> -> memref<1x!tpu.dma_semaphore, #tpu.memory_space<semaphore_mem>>
        %dma_start3A_328 = tpu.memref_squeeze %dma_start3A_327 : memref<1x!tpu.dma_semaphore, #tpu.memory_space<semaphore_mem>> -> memref<!tpu.dma_semaphore, #tpu.memory_space<semaphore_mem>>
        %dma_start3A_329 = arith.constant 0 : i32
        %dma_start3A_330 = tpu.memref_slice %arg6[%add3A_318, %dma_start3A_329] : memref<131072x2048xf32, #tpu.memory_space<hbm>> -> memref<8x2048xf32, #tpu.memory_space<hbm>>
        %dma_start3A_331 = arith.constant 0 : i32
        %dma_start3A_332 = arith.constant 0 : i32
        %dma_start3A_333 = tpu.memref_slice %run_scoped3A_5[%dma_start3A_319, %dma_start3A_331, %dma_start3A_332] : memref<4x8x2048xf32, #tpu.memory_space<vmem>> -> memref<1x8x2048xf32, #tpu.memory_space<vmem>>
        %dma_start3A_334 = tpu.memref_squeeze %dma_start3A_333 : memref<1x8x2048xf32, #tpu.memory_space<vmem>> -> memref<8x2048xf32, #tpu.memory_space<vmem>>
        tpu.enqueue_dma source(%dma_start3A_334 : memref<8x2048xf32, #tpu.memory_space<vmem>>) target(%dma_start3A_330 : memref<8x2048xf32, #tpu.memory_space<hbm>>) target_semaphore(%dma_start3A_328 : memref<!tpu.dma_semaphore, #tpu.memory_space<semaphore_mem>>)
        %add3A_335 = arith.constant 3 : i32
        %add3A_336 = arith.addi %add3A_77, %add3A_335 : i32
        %ge3A_337 = arith.constant 1 : i32
        %ge3A_338 = arith.cmpi sge, %add3A_336, %ge3A_337 : i32
        %convert_element_type3A_339 = arith.extui %ge3A_338 : i1 to i32
        %cond3A_340 = arith.constant 0 : i32
        %cond3A_341 = arith.cmpi ne, %convert_element_type3A_339, %cond3A_340 : i32
        scf.if %cond3A_341 {
          %sub3A_425 = arith.constant 1 : i32
          %sub3A_426 = arith.subi %add3A_336, %sub3A_425 : i32
          %mul3A_427 = arith.constant 8 : i32
          %mul3A_428 = arith.muli %sub3A_426, %mul3A_427 : i32
          %add3A_429 = arith.addi %mul3A_2, %mul3A_428 : i32
          %dma_wait3A_430 = arith.constant 2 : i32
          %dma_wait3A_431 = arith.constant 2 : i32
          %dma_wait3A_432 = arith.constant 0 : i32
          %dma_wait3A_433 = arith.constant 0 : i32
          %dma_wait3A_434 = tpu.memref_slice %run_scoped3A_5[%dma_wait3A_430, %dma_wait3A_432, %dma_wait3A_433] : memref<4x8x2048xf32, #tpu.memory_space<vmem>> -> memref<1x8x2048xf32, #tpu.memory_space<vmem>>
          %dma_wait3A_435 = tpu.memref_squeeze %dma_wait3A_434 : memref<1x8x2048xf32, #tpu.memory_space<vmem>> -> memref<8x2048xf32, #tpu.memory_space<vmem>>
          %dma_wait3A_436 = arith.constant 0 : i32
          %dma_wait3A_437 = tpu.memref_slice %arg6[%add3A_429, %dma_wait3A_436] : memref<131072x2048xf32, #tpu.memory_space<hbm>> -> memref<8x2048xf32, #tpu.memory_space<hbm>>
          %dma_wait3A_438 = tpu.memref_slice %run_scoped3A_7[%dma_wait3A_431] : memref<4x!tpu.dma_semaphore, #tpu.memory_space<semaphore_mem>> -> memref<1x!tpu.dma_semaphore, #tpu.memory_space<semaphore_mem>>
          %dma_wait3A_439 = tpu.memref_squeeze %dma_wait3A_438 : memref<1x!tpu.dma_semaphore, #tpu.memory_space<semaphore_mem>> -> memref<!tpu.dma_semaphore, #tpu.memory_space<semaphore_mem>>
          %dma_wait3A_440 = arith.constant 0 : i32
          %dma_wait3A_441 = tpu.memref_slice %arg6[%add3A_429, %dma_wait3A_440] : memref<131072x2048xf32, #tpu.memory_space<hbm>> -> memref<8x2048xf32, #tpu.memory_space<hbm>>
          %dma_wait3A_442 = arith.constant 0 : i32
          %dma_wait3A_443 = arith.constant 0 : i32
          %dma_wait3A_444 = tpu.memref_slice %run_scoped3A_5[%dma_wait3A_430, %dma_wait3A_442, %dma_wait3A_443] : memref<4x8x2048xf32, #tpu.memory_space<vmem>> -> memref<1x8x2048xf32, #tpu.memory_space<vmem>>
          %dma_wait3A_445 = tpu.memref_squeeze %dma_wait3A_444 : memref<1x8x2048xf32, #tpu.memory_space<vmem>> -> memref<8x2048xf32, #tpu.memory_space<vmem>>
          tpu.wait_dma2 semaphore(%dma_wait3A_439 : memref<!tpu.dma_semaphore, #tpu.memory_space<semaphore_mem>>) src(%dma_wait3A_445 : memref<8x2048xf32, #tpu.memory_space<vmem>>) dst(%dma_wait3A_441 : memref<8x2048xf32, #tpu.memory_space<hbm>>)
        } else {
        }
        %add3A_342 = arith.constant 4 : i32
        %add3A_343 = arith.addi %add3A_336, %add3A_342 : i32
        %sub3A_344 = arith.constant 1 : i32
        %sub3A_345 = arith.subi %add3A_343, %sub3A_344 : i32
        %lt3A_346 = arith.constant 512 : i32
        %lt3A_347 = arith.cmpi slt, %sub3A_345, %lt3A_346 : i32
        %convert_element_type3A_348 = arith.extui %lt3A_347 : i1 to i32
        %cond3A_349 = arith.constant 0 : i32
        %cond3A_350 = arith.cmpi ne, %convert_element_type3A_348, %cond3A_349 : i32
        scf.if %cond3A_350 {
          %add3A_425 = arith.constant 4 : i32
          %add3A_426 = arith.addi %add3A_336, %add3A_425 : i32
          %sub3A_427 = arith.constant 1 : i32
          %sub3A_428 = arith.subi %add3A_426, %sub3A_427 : i32
          %jit3A_429 = arith.constant 16 : i32
          %div3A_430 = arith.divsi %sub3A_428, %jit3A_429 : i32
          %sign3A_431 = arith.constant 0 : i32
          %sign3A_432 = arith.cmpi sgt, %sub3A_428, %sign3A_431 : i32
          %sign3A_433 = arith.extui %sign3A_432 : i1 to i32
          %sign3A_434 = arith.constant 0 : i32
          %sign3A_435 = arith.cmpi slt, %sub3A_428, %sign3A_434 : i32
          %sign3A_436 = arith.extui %sign3A_435 : i1 to i32
          %sign3A_437 = arith.subi %sign3A_433, %sign3A_436 : i32
          %sign3A_438 = arith.constant 0 : i32
          %sign3A_439 = arith.cmpi sgt, %jit3A_429, %sign3A_438 : i32
          %sign3A_440 = arith.extui %sign3A_439 : i1 to i32
          %sign3A_441 = arith.constant 0 : i32
          %sign3A_442 = arith.cmpi slt, %jit3A_429, %sign3A_441 : i32
          %sign3A_443 = arith.extui %sign3A_442 : i1 to i32
          %sign3A_444 = arith.subi %sign3A_440, %sign3A_443 : i32
          %ne3A_445 = arith.cmpi ne, %sign3A_437, %sign3A_444 : i32
          %rem3A_446 = arith.remsi %sub3A_428, %jit3A_429 : i32
          %ne3A_447 = arith.constant 0 : i32
          %ne3A_448 = arith.cmpi ne, %rem3A_446, %ne3A_447 : i32
          %and3A_449 = arith.andi %ne3A_445, %ne3A_448 : i1
          %sub3A_450 = arith.constant 1 : i32
          %sub3A_451 = arith.subi %div3A_430, %sub3A_450 : i32
          %select_n3A_452 = arith.select %and3A_449, %sub3A_451, %div3A_430 : i32
          %jit3A_453 = arith.constant 16 : i32
          %eq3A_454 = arith.constant 0 : i32
          %eq3A_455 = arith.cmpi eq, %jit3A_453, %eq3A_454 : i32
          %jit3A_456 = arith.constant 1 : i32
          %select_n3A_457 = arith.select %eq3A_455, %jit3A_456, %jit3A_453 : i32
          %rem3A_458 = arith.remsi %sub3A_428, %select_n3A_457 : i32
          %ne3A_459 = arith.constant 0 : i32
          %ne3A_460 = arith.cmpi ne, %rem3A_458, %ne3A_459 : i32
          %lt3A_461 = arith.constant 0 : i32
          %lt3A_462 = arith.cmpi slt, %rem3A_458, %lt3A_461 : i32
          %lt3A_463 = arith.constant 0 : i32
          %lt3A_464 = arith.cmpi slt, %select_n3A_457, %lt3A_463 : i32
          %ne3A_465 = arith.xori %lt3A_462, %lt3A_464 : i1
          %and3A_466 = arith.andi %ne3A_465, %ne3A_460 : i1
          %add3A_467 = arith.addi %rem3A_458, %select_n3A_457 : i32
          %select_n3A_468 = arith.select %and3A_466, %add3A_467, %rem3A_458 : i32
          %mul3A_469 = arith.constant 8 : i32
          %mul3A_470 = arith.muli %select_n3A_468, %mul3A_469 : i32
          %dma_start3A_471 = arith.constant 2 : i32
          %dma_start3A_472 = arith.constant 2 : i32
          %dma_start3A_473 = arith.constant 0 : i32
          %dma_start3A_474 = arith.constant 0 : i32
          %dma_start3A_475 = tpu.memref_slice %run_scoped3A_5[%dma_start3A_471, %dma_start3A_473, %dma_start3A_474] : memref<4x8x2048xf32, #tpu.memory_space<vmem>> -> memref<1x8x2048xf32, #tpu.memory_space<vmem>>
          %dma_start3A_476 = tpu.memref_squeeze %dma_start3A_475 : memref<1x8x2048xf32, #tpu.memory_space<vmem>> -> memref<8x2048xf32, #tpu.memory_space<vmem>>
          %dma_start3A_477 = tpu.memref_slice %run_scoped3A[%select_n3A_452, %mul3A_470] : memref<32x128xi32, #tpu.memory_space<vmem>> -> memref<1x8xi32, #tpu.memory_space<vmem>>
          %dma_start3A_478 = tpu.memref_squeeze %dma_start3A_477 : memref<1x8xi32, #tpu.memory_space<vmem>> -> memref<8xi32, #tpu.memory_space<vmem>>
          %dma_start3A_479 = arith.constant 0 : i32
          %dma_start3A_480 = arith.constant 0 : i32
          %dma_start3A_481 = tpu.memref_slice %arg2[%dma_start3A_479, %dma_start3A_480] : memref<50272x2048xf32, #tpu.memory_space<hbm>> -> memref<50272x2048xf32, #tpu.memory_space<hbm>>
          %dma_start3A_482 = tpu.memref_slice %run_scoped3A_6[%dma_start3A_472] : memref<4x!tpu.dma_semaphore, #tpu.memory_space<semaphore_mem>> -> memref<1x!tpu.dma_semaphore, #tpu.memory_space<semaphore_mem>>
          %dma_start3A_483 = tpu.memref_squeeze %dma_start3A_482 : memref<1x!tpu.dma_semaphore, #tpu.memory_space<semaphore_mem>> -> memref<!tpu.dma_semaphore, #tpu.memory_space<semaphore_mem>>
          tpu.enqueue_indirect_dma source(%dma_start3A_481 : memref<50272x2048xf32, #tpu.memory_space<hbm>>) target(%dma_start3A_476 : memref<8x2048xf32, #tpu.memory_space<vmem>>) offsets(%dma_start3A_478 : memref<8xi32, #tpu.memory_space<vmem>>) semaphore(%dma_start3A_483 : memref<!tpu.dma_semaphore, #tpu.memory_space<semaphore_mem>>)
        } else {
        }
        %jit3A_351 = arith.constant 16 : i32
        %div3A_352 = arith.divsi %add3A_336, %jit3A_351 : i32
        %sign3A_353 = arith.constant 0 : i32
        %sign3A_354 = arith.cmpi sgt, %add3A_336, %sign3A_353 : i32
        %sign3A_355 = arith.extui %sign3A_354 : i1 to i32
        %sign3A_356 = arith.constant 0 : i32
        %sign3A_357 = arith.cmpi slt, %add3A_336, %sign3A_356 : i32
        %sign3A_358 = arith.extui %sign3A_357 : i1 to i32
        %sign3A_359 = arith.subi %sign3A_355, %sign3A_358 : i32
        %sign3A_360 = arith.constant 0 : i32
        %sign3A_361 = arith.cmpi sgt, %jit3A_351, %sign3A_360 : i32
        %sign3A_362 = arith.extui %sign3A_361 : i1 to i32
        %sign3A_363 = arith.constant 0 : i32
        %sign3A_364 = arith.cmpi slt, %jit3A_351, %sign3A_363 : i32
        %sign3A_365 = arith.extui %sign3A_364 : i1 to i32
        %sign3A_366 = arith.subi %sign3A_362, %sign3A_365 : i32
        %ne3A_367 = arith.cmpi ne, %sign3A_359, %sign3A_366 : i32
        %rem3A_368 = arith.remsi %add3A_336, %jit3A_351 : i32
        %ne3A_369 = arith.constant 0 : i32
        %ne3A_370 = arith.cmpi ne, %rem3A_368, %ne3A_369 : i32
        %and3A_371 = arith.andi %ne3A_367, %ne3A_370 : i1
        %sub3A_372 = arith.constant 1 : i32
        %sub3A_373 = arith.subi %div3A_352, %sub3A_372 : i32
        %select_n3A_374 = arith.select %and3A_371, %sub3A_373, %div3A_352 : i32
        %jit3A_375 = arith.constant 16 : i32
        %eq3A_376 = arith.constant 0 : i32
        %eq3A_377 = arith.cmpi eq, %jit3A_375, %eq3A_376 : i32
        %jit3A_378 = arith.constant 1 : i32
        %select_n3A_379 = arith.select %eq3A_377, %jit3A_378, %jit3A_375 : i32
        %rem3A_380 = arith.remsi %add3A_336, %select_n3A_379 : i32
        %ne3A_381 = arith.constant 0 : i32
        %ne3A_382 = arith.cmpi ne, %rem3A_380, %ne3A_381 : i32
        %lt3A_383 = arith.constant 0 : i32
        %lt3A_384 = arith.cmpi slt, %rem3A_380, %lt3A_383 : i32
        %lt3A_385 = arith.constant 0 : i32
        %lt3A_386 = arith.cmpi slt, %select_n3A_379, %lt3A_385 : i32
        %ne3A_387 = arith.xori %lt3A_384, %lt3A_386 : i1
        %and3A_388 = arith.andi %ne3A_387, %ne3A_382 : i1
        %add3A_389 = arith.addi %rem3A_380, %select_n3A_379 : i32
        %select_n3A_390 = arith.select %and3A_388, %add3A_389, %rem3A_380 : i32
        %mul3A_391 = arith.constant 8 : i32
        %mul3A_392 = arith.muli %select_n3A_390, %mul3A_391 : i32
        %dma_wait3A_393 = arith.constant 3 : i32
        %dma_wait3A_394 = arith.constant 3 : i32
        %dma_wait3A_395 = arith.constant 0 : i32
        %dma_wait3A_396 = arith.constant 0 : i32
        %dma_wait3A_397 = tpu.memref_slice %run_scoped3A_5[%dma_wait3A_393, %dma_wait3A_395, %dma_wait3A_396] : memref<4x8x2048xf32, #tpu.memory_space<vmem>> -> memref<1x8x2048xf32, #tpu.memory_space<vmem>>
        %dma_wait3A_398 = tpu.memref_squeeze %dma_wait3A_397 : memref<1x8x2048xf32, #tpu.memory_space<vmem>> -> memref<8x2048xf32, #tpu.memory_space<vmem>>
        %dma_wait3A_399 = tpu.memref_slice %run_scoped3A[%select_n3A_374, %mul3A_392] : memref<32x128xi32, #tpu.memory_space<vmem>> -> memref<1x8xi32, #tpu.memory_space<vmem>>
        %dma_wait3A_400 = tpu.memref_squeeze %dma_wait3A_399 : memref<1x8xi32, #tpu.memory_space<vmem>> -> memref<8xi32, #tpu.memory_space<vmem>>
        %dma_wait3A_401 = arith.constant 0 : i32
        %dma_wait3A_402 = arith.constant 0 : i32
        %dma_wait3A_403 = tpu.memref_slice %arg2[%dma_wait3A_401, %dma_wait3A_402] : memref<50272x2048xf32, #tpu.memory_space<hbm>> -> memref<50272x2048xf32, #tpu.memory_space<hbm>>
        %dma_wait3A_404 = tpu.memref_slice %run_scoped3A_6[%dma_wait3A_394] : memref<4x!tpu.dma_semaphore, #tpu.memory_space<semaphore_mem>> -> memref<1x!tpu.dma_semaphore, #tpu.memory_space<semaphore_mem>>
        %dma_wait3A_405 = tpu.memref_squeeze %dma_wait3A_404 : memref<1x!tpu.dma_semaphore, #tpu.memory_space<semaphore_mem>> -> memref<!tpu.dma_semaphore, #tpu.memory_space<semaphore_mem>>
        tpu.wait_indirect_dma semaphore(%dma_wait3A_405 : memref<!tpu.dma_semaphore, #tpu.memory_space<semaphore_mem>>) src(%dma_wait3A_403 : memref<50272x2048xf32, #tpu.memory_space<hbm>>) dst(%dma_wait3A_398 : memref<8x2048xf32, #tpu.memory_space<vmem>>)
        %mul3A_406 = arith.constant 8 : i32
        %mul3A_407 = arith.muli %add3A_336, %mul3A_406 : i32
        %add3A_408 = arith.addi %mul3A_2, %mul3A_407 : i32
        %dma_start3A_409 = arith.constant 3 : i32
        %dma_start3A_410 = arith.constant 3 : i32
        %dma_start3A_411 = arith.constant 0 : i32
        %dma_start3A_412 = arith.constant 0 : i32
        %dma_start3A_413 = tpu.memref_slice %run_scoped3A_5[%dma_start3A_409, %dma_start3A_411, %dma_start3A_412] : memref<4x8x2048xf32, #tpu.memory_space<vmem>> -> memref<1x8x2048xf32, #tpu.memory_space<vmem>>
        %dma_start3A_414 = tpu.memref_squeeze %dma_start3A_413 : memref<1x8x2048xf32, #tpu.memory_space<vmem>> -> memref<8x2048xf32, #tpu.memory_space<vmem>>
        %dma_start3A_415 = arith.constant 0 : i32
        %dma_start3A_416 = tpu.memref_slice %arg6[%add3A_408, %dma_start3A_415] : memref<131072x2048xf32, #tpu.memory_space<hbm>> -> memref<8x2048xf32, #tpu.memory_space<hbm>>
        %dma_start3A_417 = tpu.memref_slice %run_scoped3A_7[%dma_start3A_410] : memref<4x!tpu.dma_semaphore, #tpu.memory_space<semaphore_mem>> -> memref<1x!tpu.dma_semaphore, #tpu.memory_space<semaphore_mem>>
        %dma_start3A_418 = tpu.memref_squeeze %dma_start3A_417 : memref<1x!tpu.dma_semaphore, #tpu.memory_space<semaphore_mem>> -> memref<!tpu.dma_semaphore, #tpu.memory_space<semaphore_mem>>
        %dma_start3A_419 = arith.constant 0 : i32
        %dma_start3A_420 = tpu.memref_slice %arg6[%add3A_408, %dma_start3A_419] : memref<131072x2048xf32, #tpu.memory_space<hbm>> -> memref<8x2048xf32, #tpu.memory_space<hbm>>
        %dma_start3A_421 = arith.constant 0 : i32
        %dma_start3A_422 = arith.constant 0 : i32
        %dma_start3A_423 = tpu.memref_slice %run_scoped3A_5[%dma_start3A_409, %dma_start3A_421, %dma_start3A_422] : memref<4x8x2048xf32, #tpu.memory_space<vmem>> -> memref<1x8x2048xf32, #tpu.memory_space<vmem>>
        %dma_start3A_424 = tpu.memref_squeeze %dma_start3A_423 : memref<1x8x2048xf32, #tpu.memory_space<vmem>> -> memref<8x2048xf32, #tpu.memory_space<vmem>>
        tpu.enqueue_dma source(%dma_start3A_424 : memref<8x2048xf32, #tpu.memory_space<vmem>>) target(%dma_start3A_420 : memref<8x2048xf32, #tpu.memory_space<hbm>>) target_semaphore(%dma_start3A_418 : memref<!tpu.dma_semaphore, #tpu.memory_space<semaphore_mem>>)
      }
      %scan3A_55 = arith.constant 128 : i32
      %add3A_56 = arith.constant 4088 : i32
      %add3A_57 = arith.addi %mul3A_2, %add3A_56 : i32
      %dma_wait3A = arith.constant 3 : i32
      %dma_wait3A_58 = arith.constant 3 : i32
      %dma_wait3A_59 = arith.constant 0 : i32
      %dma_wait3A_60 = arith.constant 0 : i32
      %dma_wait3A_61 = tpu.memref_slice %run_scoped3A_5[%dma_wait3A, %dma_wait3A_59, %dma_wait3A_60] : memref<4x8x2048xf32, #tpu.memory_space<vmem>> -> memref<1x8x2048xf32, #tpu.memory_space<vmem>>
      %dma_wait3A_62 = tpu.memref_squeeze %dma_wait3A_61 : memref<1x8x2048xf32, #tpu.memory_space<vmem>> -> memref<8x2048xf32, #tpu.memory_space<vmem>>
      %dma_wait3A_63 = arith.constant 0 : i32
      %dma_wait3A_64 = tpu.memref_slice %arg6[%add3A_57, %dma_wait3A_63] : memref<131072x2048xf32, #tpu.memory_space<hbm>> -> memref<8x2048xf32, #tpu.memory_space<hbm>>
      %dma_wait3A_65 = tpu.memref_slice %run_scoped3A_7[%dma_wait3A_58] : memref<4x!tpu.dma_semaphore, #tpu.memory_space<semaphore_mem>> -> memref<1x!tpu.dma_semaphore, #tpu.memory_space<semaphore_mem>>
      %dma_wait3A_66 = tpu.memref_squeeze %dma_wait3A_65 : memref<1x!tpu.dma_semaphore, #tpu.memory_space<semaphore_mem>> -> memref<!tpu.dma_semaphore, #tpu.memory_space<semaphore_mem>>
      %dma_wait3A_67 = arith.constant 0 : i32
      %dma_wait3A_68 = tpu.memref_slice %arg6[%add3A_57, %dma_wait3A_67] : memref<131072x2048xf32, #tpu.memory_space<hbm>> -> memref<8x2048xf32, #tpu.memory_space<hbm>>
      %dma_wait3A_69 = arith.constant 0 : i32
      %dma_wait3A_70 = arith.constant 0 : i32
      %dma_wait3A_71 = tpu.memref_slice %run_scoped3A_5[%dma_wait3A, %dma_wait3A_69, %dma_wait3A_70] : memref<4x8x2048xf32, #tpu.memory_space<vmem>> -> memref<1x8x2048xf32, #tpu.memory_space<vmem>>
      %dma_wait3A_72 = tpu.memref_squeeze %dma_wait3A_71 : memref<1x8x2048xf32, #tpu.memory_space<vmem>> -> memref<8x2048xf32, #tpu.memory_space<vmem>>
      tpu.wait_dma2 semaphore(%dma_wait3A_66 : memref<!tpu.dma_semaphore, #tpu.memory_space<semaphore_mem>>) src(%dma_wait3A_72 : memref<8x2048xf32, #tpu.memory_space<vmem>>) dst(%dma_wait3A_68 : memref<8x2048xf32, #tpu.memory_space<hbm>>)
      tpu.yield
    }) : () -> ()
    %mul3A_3 = arith.constant 4096 : i32
    %mul3A_4 = arith.muli %add3A, %mul3A_3 : i32
    "tpu.region"() ({
      %run_scoped3A = memref.alloca() : memref<32x128xi32, #tpu.memory_space<vmem>>
      %run_scoped3A_5 = memref.alloca() : memref<4x16x1024xf32, #tpu.memory_space<vmem>>
      %run_scoped3A_6 = tpu.sem_alloc : memref<4x!tpu.dma_semaphore, #tpu.memory_space<semaphore_mem>>
      %run_scoped3A_7 = tpu.sem_alloc : memref<4x!tpu.dma_semaphore, #tpu.memory_space<semaphore_mem>>
      "tpu.region"() ({
        %run_scoped3A_73 = tpu.sem_alloc : memref<!tpu.dma_semaphore, #tpu.memory_space<semaphore_mem>>
        %dma_start3A_74 = arith.constant 0 : i32
        %dma_start3A_75 = arith.constant 0 : i32
        %dma_start3A_76 = tpu.memref_slice %arg5[%add3A, %dma_start3A_74, %dma_start3A_75] : memref<32x32x128xi32, #tpu.memory_space<hbm>> -> memref<1x32x128xi32, #tpu.memory_space<hbm>>
        %dma_start3A_77 = tpu.memref_squeeze %dma_start3A_76 : memref<1x32x128xi32, #tpu.memory_space<hbm>> -> memref<32x128xi32, #tpu.memory_space<hbm>>
        %dma_start3A_78 = arith.constant 0 : i32
        %dma_start3A_79 = arith.constant 0 : i32
        %dma_start3A_80 = tpu.memref_slice %arg5[%add3A, %dma_start3A_78, %dma_start3A_79] : memref<32x32x128xi32, #tpu.memory_space<hbm>> -> memref<1x32x128xi32, #tpu.memory_space<hbm>>
        %dma_start3A_81 = tpu.memref_squeeze %dma_start3A_80 : memref<1x32x128xi32, #tpu.memory_space<hbm>> -> memref<32x128xi32, #tpu.memory_space<hbm>>
        tpu.enqueue_dma source(%dma_start3A_81 : memref<32x128xi32, #tpu.memory_space<hbm>>) target(%run_scoped3A : memref<32x128xi32, #tpu.memory_space<vmem>>) target_semaphore(%run_scoped3A_73 : memref<!tpu.dma_semaphore, #tpu.memory_space<semaphore_mem>>)
        %dma_wait3A_82 = arith.constant 0 : i32
        %dma_wait3A_83 = arith.constant 0 : i32
        %dma_wait3A_84 = tpu.memref_slice %arg5[%add3A, %dma_wait3A_82, %dma_wait3A_83] : memref<32x32x128xi32, #tpu.memory_space<hbm>> -> memref<1x32x128xi32, #tpu.memory_space<hbm>>
        %dma_wait3A_85 = tpu.memref_squeeze %dma_wait3A_84 : memref<1x32x128xi32, #tpu.memory_space<hbm>> -> memref<32x128xi32, #tpu.memory_space<hbm>>
        %dma_wait3A_86 = arith.constant 0 : i32
        %dma_wait3A_87 = arith.constant 0 : i32
        %dma_wait3A_88 = tpu.memref_slice %arg5[%add3A, %dma_wait3A_86, %dma_wait3A_87] : memref<32x32x128xi32, #tpu.memory_space<hbm>> -> memref<1x32x128xi32, #tpu.memory_space<hbm>>
        %dma_wait3A_89 = tpu.memref_squeeze %dma_wait3A_88 : memref<1x32x128xi32, #tpu.memory_space<hbm>> -> memref<32x128xi32, #tpu.memory_space<hbm>>
        tpu.wait_dma2 semaphore(%run_scoped3A_73 : memref<!tpu.dma_semaphore, #tpu.memory_space<semaphore_mem>>) src(%dma_wait3A_89 : memref<32x128xi32, #tpu.memory_space<hbm>>) dst(%run_scoped3A : memref<32x128xi32, #tpu.memory_space<vmem>>)
        tpu.yield
      }) : () -> ()
      %dma_start3A = arith.constant 0 : i32
      %dma_start3A_8 = arith.constant 0 : i32
      %dma_start3A_9 = arith.constant 0 : i32
      %dma_start3A_10 = arith.constant 0 : i32
      %dma_start3A_11 = arith.constant 0 : i32
      %dma_start3A_12 = tpu.memref_slice %run_scoped3A_5[%dma_start3A_8, %dma_start3A_10, %dma_start3A_11] : memref<4x16x1024xf32, #tpu.memory_space<vmem>> -> memref<1x16x1024xf32, #tpu.memory_space<vmem>>
      %dma_start3A_13 = tpu.memref_squeeze %dma_start3A_12 : memref<1x16x1024xf32, #tpu.memory_space<vmem>> -> memref<16x1024xf32, #tpu.memory_space<vmem>>
      %dma_start3A_14 = arith.constant 0 : i32
      %dma_start3A_15 = tpu.memref_slice %run_scoped3A[%dma_start3A, %dma_start3A_14] : memref<32x128xi32, #tpu.memory_space<vmem>> -> memref<1x16xi32, #tpu.memory_space<vmem>>
      %dma_start3A_16 = tpu.memref_squeeze %dma_start3A_15 : memref<1x16xi32, #tpu.memory_space<vmem>> -> memref<16xi32, #tpu.memory_space<vmem>>
      %dma_start3A_17 = arith.constant 0 : i32
      %dma_start3A_18 = arith.constant 0 : i32
      %dma_start3A_19 = tpu.memref_slice %arg4[%dma_start3A_17, %dma_start3A_18] : memref<32128x1024xf32, #tpu.memory_space<hbm>> -> memref<32128x1024xf32, #tpu.memory_space<hbm>>
      %dma_start3A_20 = tpu.memref_slice %run_scoped3A_6[%dma_start3A_9] : memref<4x!tpu.dma_semaphore, #tpu.memory_space<semaphore_mem>> -> memref<1x!tpu.dma_semaphore, #tpu.memory_space<semaphore_mem>>
      %dma_start3A_21 = tpu.memref_squeeze %dma_start3A_20 : memref<1x!tpu.dma_semaphore, #tpu.memory_space<semaphore_mem>> -> memref<!tpu.dma_semaphore, #tpu.memory_space<semaphore_mem>>
      tpu.enqueue_indirect_dma source(%dma_start3A_19 : memref<32128x1024xf32, #tpu.memory_space<hbm>>) target(%dma_start3A_13 : memref<16x1024xf32, #tpu.memory_space<vmem>>) offsets(%dma_start3A_16 : memref<16xi32, #tpu.memory_space<vmem>>) semaphore(%dma_start3A_21 : memref<!tpu.dma_semaphore, #tpu.memory_space<semaphore_mem>>)
      %dma_start3A_22 = arith.constant 0 : i32
      %dma_start3A_23 = arith.constant 1 : i32
      %dma_start3A_24 = arith.constant 1 : i32
      %dma_start3A_25 = arith.constant 0 : i32
      %dma_start3A_26 = arith.constant 0 : i32
      %dma_start3A_27 = tpu.memref_slice %run_scoped3A_5[%dma_start3A_23, %dma_start3A_25, %dma_start3A_26] : memref<4x16x1024xf32, #tpu.memory_space<vmem>> -> memref<1x16x1024xf32, #tpu.memory_space<vmem>>
      %dma_start3A_28 = tpu.memref_squeeze %dma_start3A_27 : memref<1x16x1024xf32, #tpu.memory_space<vmem>> -> memref<16x1024xf32, #tpu.memory_space<vmem>>
      %dma_start3A_29 = arith.constant 16 : i32
      %dma_start3A_30 = tpu.memref_slice %run_scoped3A[%dma_start3A_22, %dma_start3A_29] : memref<32x128xi32, #tpu.memory_space<vmem>> -> memref<1x16xi32, #tpu.memory_space<vmem>>
      %dma_start3A_31 = tpu.memref_squeeze %dma_start3A_30 : memref<1x16xi32, #tpu.memory_space<vmem>> -> memref<16xi32, #tpu.memory_space<vmem>>
      %dma_start3A_32 = arith.constant 0 : i32
      %dma_start3A_33 = arith.constant 0 : i32
      %dma_start3A_34 = tpu.memref_slice %arg4[%dma_start3A_32, %dma_start3A_33] : memref<32128x1024xf32, #tpu.memory_space<hbm>> -> memref<32128x1024xf32, #tpu.memory_space<hbm>>
      %dma_start3A_35 = tpu.memref_slice %run_scoped3A_6[%dma_start3A_24] : memref<4x!tpu.dma_semaphore, #tpu.memory_space<semaphore_mem>> -> memref<1x!tpu.dma_semaphore, #tpu.memory_space<semaphore_mem>>
      %dma_start3A_36 = tpu.memref_squeeze %dma_start3A_35 : memref<1x!tpu.dma_semaphore, #tpu.memory_space<semaphore_mem>> -> memref<!tpu.dma_semaphore, #tpu.memory_space<semaphore_mem>>
      tpu.enqueue_indirect_dma source(%dma_start3A_34 : memref<32128x1024xf32, #tpu.memory_space<hbm>>) target(%dma_start3A_28 : memref<16x1024xf32, #tpu.memory_space<vmem>>) offsets(%dma_start3A_31 : memref<16xi32, #tpu.memory_space<vmem>>) semaphore(%dma_start3A_36 : memref<!tpu.dma_semaphore, #tpu.memory_space<semaphore_mem>>)
      %dma_start3A_37 = arith.constant 0 : i32
      %dma_start3A_38 = arith.constant 2 : i32
      %dma_start3A_39 = arith.constant 2 : i32
      %dma_start3A_40 = arith.constant 0 : i32
      %dma_start3A_41 = arith.constant 0 : i32
      %dma_start3A_42 = tpu.memref_slice %run_scoped3A_5[%dma_start3A_38, %dma_start3A_40, %dma_start3A_41] : memref<4x16x1024xf32, #tpu.memory_space<vmem>> -> memref<1x16x1024xf32, #tpu.memory_space<vmem>>
      %dma_start3A_43 = tpu.memref_squeeze %dma_start3A_42 : memref<1x16x1024xf32, #tpu.memory_space<vmem>> -> memref<16x1024xf32, #tpu.memory_space<vmem>>
      %dma_start3A_44 = arith.constant 32 : i32
      %dma_start3A_45 = tpu.memref_slice %run_scoped3A[%dma_start3A_37, %dma_start3A_44] : memref<32x128xi32, #tpu.memory_space<vmem>> -> memref<1x16xi32, #tpu.memory_space<vmem>>
      %dma_start3A_46 = tpu.memref_squeeze %dma_start3A_45 : memref<1x16xi32, #tpu.memory_space<vmem>> -> memref<16xi32, #tpu.memory_space<vmem>>
      %dma_start3A_47 = arith.constant 0 : i32
      %dma_start3A_48 = arith.constant 0 : i32
      %dma_start3A_49 = tpu.memref_slice %arg4[%dma_start3A_47, %dma_start3A_48] : memref<32128x1024xf32, #tpu.memory_space<hbm>> -> memref<32128x1024xf32, #tpu.memory_space<hbm>>
      %dma_start3A_50 = tpu.memref_slice %run_scoped3A_6[%dma_start3A_39] : memref<4x!tpu.dma_semaphore, #tpu.memory_space<semaphore_mem>> -> memref<1x!tpu.dma_semaphore, #tpu.memory_space<semaphore_mem>>
      %dma_start3A_51 = tpu.memref_squeeze %dma_start3A_50 : memref<1x!tpu.dma_semaphore, #tpu.memory_space<semaphore_mem>> -> memref<!tpu.dma_semaphore, #tpu.memory_space<semaphore_mem>>
      tpu.enqueue_indirect_dma source(%dma_start3A_49 : memref<32128x1024xf32, #tpu.memory_space<hbm>>) target(%dma_start3A_43 : memref<16x1024xf32, #tpu.memory_space<vmem>>) offsets(%dma_start3A_46 : memref<16xi32, #tpu.memory_space<vmem>>) semaphore(%dma_start3A_51 : memref<!tpu.dma_semaphore, #tpu.memory_space<semaphore_mem>>)
      %scan3A = arith.constant 0 : i32
      %scan3A_52 = arith.constant 64 : i32
      %scan3A_53 = arith.addi %scan3A, %scan3A_52 : i32
      %scan3A_54 = arith.constant 1 : i32
      scf.for %scan3A_73 = %scan3A to %scan3A_53 step %scan3A_54  : i32 {
        %mul3A_74 = arith.constant 4 : i32
        %mul3A_75 = arith.muli %scan3A_73, %mul3A_74 : i32
        %add3A_76 = arith.constant 0 : i32
        %add3A_77 = arith.addi %add3A_76, %mul3A_75 : i32
        %add3A_78 = arith.constant 0 : i32
        %add3A_79 = arith.addi %add3A_77, %add3A_78 : i32
        %ge3A = arith.constant 1 : i32
        %ge3A_80 = arith.cmpi sge, %add3A_79, %ge3A : i32
        %convert_element_type3A = arith.extui %ge3A_80 : i1 to i32
        %cond3A = arith.constant 0 : i32
        %cond3A_81 = arith.cmpi ne, %convert_element_type3A, %cond3A : i32
        scf.if %cond3A_81 {
          %sub3A_425 = arith.constant 1 : i32
          %sub3A_426 = arith.subi %add3A_79, %sub3A_425 : i32
          %mul3A_427 = arith.constant 16 : i32
          %mul3A_428 = arith.muli %sub3A_426, %mul3A_427 : i32
          %add3A_429 = arith.addi %mul3A_4, %mul3A_428 : i32
          %dma_wait3A_430 = arith.constant 3 : i32
          %dma_wait3A_431 = arith.constant 3 : i32
          %dma_wait3A_432 = arith.constant 0 : i32
          %dma_wait3A_433 = arith.constant 0 : i32
          %dma_wait3A_434 = tpu.memref_slice %run_scoped3A_5[%dma_wait3A_430, %dma_wait3A_432, %dma_wait3A_433] : memref<4x16x1024xf32, #tpu.memory_space<vmem>> -> memref<1x16x1024xf32, #tpu.memory_space<vmem>>
          %dma_wait3A_435 = tpu.memref_squeeze %dma_wait3A_434 : memref<1x16x1024xf32, #tpu.memory_space<vmem>> -> memref<16x1024xf32, #tpu.memory_space<vmem>>
          %dma_wait3A_436 = arith.constant 0 : i32
          %dma_wait3A_437 = tpu.memref_slice %arg7[%add3A_429, %dma_wait3A_436] : memref<131072x1024xf32, #tpu.memory_space<hbm>> -> memref<16x1024xf32, #tpu.memory_space<hbm>>
          %dma_wait3A_438 = tpu.memref_slice %run_scoped3A_7[%dma_wait3A_431] : memref<4x!tpu.dma_semaphore, #tpu.memory_space<semaphore_mem>> -> memref<1x!tpu.dma_semaphore, #tpu.memory_space<semaphore_mem>>
          %dma_wait3A_439 = tpu.memref_squeeze %dma_wait3A_438 : memref<1x!tpu.dma_semaphore, #tpu.memory_space<semaphore_mem>> -> memref<!tpu.dma_semaphore, #tpu.memory_space<semaphore_mem>>
          %dma_wait3A_440 = arith.constant 0 : i32
          %dma_wait3A_441 = tpu.memref_slice %arg7[%add3A_429, %dma_wait3A_440] : memref<131072x1024xf32, #tpu.memory_space<hbm>> -> memref<16x1024xf32, #tpu.memory_space<hbm>>
          %dma_wait3A_442 = arith.constant 0 : i32
          %dma_wait3A_443 = arith.constant 0 : i32
          %dma_wait3A_444 = tpu.memref_slice %run_scoped3A_5[%dma_wait3A_430, %dma_wait3A_442, %dma_wait3A_443] : memref<4x16x1024xf32, #tpu.memory_space<vmem>> -> memref<1x16x1024xf32, #tpu.memory_space<vmem>>
          %dma_wait3A_445 = tpu.memref_squeeze %dma_wait3A_444 : memref<1x16x1024xf32, #tpu.memory_space<vmem>> -> memref<16x1024xf32, #tpu.memory_space<vmem>>
          tpu.wait_dma2 semaphore(%dma_wait3A_439 : memref<!tpu.dma_semaphore, #tpu.memory_space<semaphore_mem>>) src(%dma_wait3A_445 : memref<16x1024xf32, #tpu.memory_space<vmem>>) dst(%dma_wait3A_441 : memref<16x1024xf32, #tpu.memory_space<hbm>>)
        } else {
        }
        %add3A_82 = arith.constant 4 : i32
        %add3A_83 = arith.addi %add3A_79, %add3A_82 : i32
        %sub3A = arith.constant 1 : i32
        %sub3A_84 = arith.subi %add3A_83, %sub3A : i32
        %lt3A = arith.constant 256 : i32
        %lt3A_85 = arith.cmpi slt, %sub3A_84, %lt3A : i32
        %convert_element_type3A_86 = arith.extui %lt3A_85 : i1 to i32
        %cond3A_87 = arith.constant 0 : i32
        %cond3A_88 = arith.cmpi ne, %convert_element_type3A_86, %cond3A_87 : i32
        scf.if %cond3A_88 {
          %add3A_425 = arith.constant 4 : i32
          %add3A_426 = arith.addi %add3A_79, %add3A_425 : i32
          %sub3A_427 = arith.constant 1 : i32
          %sub3A_428 = arith.subi %add3A_426, %sub3A_427 : i32
          %jit3A_429 = arith.constant 8 : i32
          %div3A_430 = arith.divsi %sub3A_428, %jit3A_429 : i32
          %sign3A_431 = arith.constant 0 : i32
          %sign3A_432 = arith.cmpi sgt, %sub3A_428, %sign3A_431 : i32
          %sign3A_433 = arith.extui %sign3A_432 : i1 to i32
          %sign3A_434 = arith.constant 0 : i32
          %sign3A_435 = arith.cmpi slt, %sub3A_428, %sign3A_434 : i32
          %sign3A_436 = arith.extui %sign3A_435 : i1 to i32
          %sign3A_437 = arith.subi %sign3A_433, %sign3A_436 : i32
          %sign3A_438 = arith.constant 0 : i32
          %sign3A_439 = arith.cmpi sgt, %jit3A_429, %sign3A_438 : i32
          %sign3A_440 = arith.extui %sign3A_439 : i1 to i32
          %sign3A_441 = arith.constant 0 : i32
          %sign3A_442 = arith.cmpi slt, %jit3A_429, %sign3A_441 : i32
          %sign3A_443 = arith.extui %sign3A_442 : i1 to i32
          %sign3A_444 = arith.subi %sign3A_440, %sign3A_443 : i32
          %ne3A_445 = arith.cmpi ne, %sign3A_437, %sign3A_444 : i32
          %rem3A_446 = arith.remsi %sub3A_428, %jit3A_429 : i32
          %ne3A_447 = arith.constant 0 : i32
          %ne3A_448 = arith.cmpi ne, %rem3A_446, %ne3A_447 : i32
          %and3A_449 = arith.andi %ne3A_445, %ne3A_448 : i1
          %sub3A_450 = arith.constant 1 : i32
          %sub3A_451 = arith.subi %div3A_430, %sub3A_450 : i32
          %select_n3A_452 = arith.select %and3A_449, %sub3A_451, %div3A_430 : i32
          %jit3A_453 = arith.constant 8 : i32
          %eq3A_454 = arith.constant 0 : i32
          %eq3A_455 = arith.cmpi eq, %jit3A_453, %eq3A_454 : i32
          %jit3A_456 = arith.constant 1 : i32
          %select_n3A_457 = arith.select %eq3A_455, %jit3A_456, %jit3A_453 : i32
          %rem3A_458 = arith.remsi %sub3A_428, %select_n3A_457 : i32
          %ne3A_459 = arith.constant 0 : i32
          %ne3A_460 = arith.cmpi ne, %rem3A_458, %ne3A_459 : i32
          %lt3A_461 = arith.constant 0 : i32
          %lt3A_462 = arith.cmpi slt, %rem3A_458, %lt3A_461 : i32
          %lt3A_463 = arith.constant 0 : i32
          %lt3A_464 = arith.cmpi slt, %select_n3A_457, %lt3A_463 : i32
          %ne3A_465 = arith.xori %lt3A_462, %lt3A_464 : i1
          %and3A_466 = arith.andi %ne3A_465, %ne3A_460 : i1
          %add3A_467 = arith.addi %rem3A_458, %select_n3A_457 : i32
          %select_n3A_468 = arith.select %and3A_466, %add3A_467, %rem3A_458 : i32
          %mul3A_469 = arith.constant 16 : i32
          %mul3A_470 = arith.muli %select_n3A_468, %mul3A_469 : i32
          %dma_start3A_471 = arith.constant 3 : i32
          %dma_start3A_472 = arith.constant 3 : i32
          %dma_start3A_473 = arith.constant 0 : i32
          %dma_start3A_474 = arith.constant 0 : i32
          %dma_start3A_475 = tpu.memref_slice %run_scoped3A_5[%dma_start3A_471, %dma_start3A_473, %dma_start3A_474] : memref<4x16x1024xf32, #tpu.memory_space<vmem>> -> memref<1x16x1024xf32, #tpu.memory_space<vmem>>
          %dma_start3A_476 = tpu.memref_squeeze %dma_start3A_475 : memref<1x16x1024xf32, #tpu.memory_space<vmem>> -> memref<16x1024xf32, #tpu.memory_space<vmem>>
          %dma_start3A_477 = tpu.memref_slice %run_scoped3A[%select_n3A_452, %mul3A_470] : memref<32x128xi32, #tpu.memory_space<vmem>> -> memref<1x16xi32, #tpu.memory_space<vmem>>
          %dma_start3A_478 = tpu.memref_squeeze %dma_start3A_477 : memref<1x16xi32, #tpu.memory_space<vmem>> -> memref<16xi32, #tpu.memory_space<vmem>>
          %dma_start3A_479 = arith.constant 0 : i32
          %dma_start3A_480 = arith.constant 0 : i32
          %dma_start3A_481 = tpu.memref_slice %arg4[%dma_start3A_479, %dma_start3A_480] : memref<32128x1024xf32, #tpu.memory_space<hbm>> -> memref<32128x1024xf32, #tpu.memory_space<hbm>>
          %dma_start3A_482 = tpu.memref_slice %run_scoped3A_6[%dma_start3A_472] : memref<4x!tpu.dma_semaphore, #tpu.memory_space<semaphore_mem>> -> memref<1x!tpu.dma_semaphore, #tpu.memory_space<semaphore_mem>>
          %dma_start3A_483 = tpu.memref_squeeze %dma_start3A_482 : memref<1x!tpu.dma_semaphore, #tpu.memory_space<semaphore_mem>> -> memref<!tpu.dma_semaphore, #tpu.memory_space<semaphore_mem>>
          tpu.enqueue_indirect_dma source(%dma_start3A_481 : memref<32128x1024xf32, #tpu.memory_space<hbm>>) target(%dma_start3A_476 : memref<16x1024xf32, #tpu.memory_space<vmem>>) offsets(%dma_start3A_478 : memref<16xi32, #tpu.memory_space<vmem>>) semaphore(%dma_start3A_483 : memref<!tpu.dma_semaphore, #tpu.memory_space<semaphore_mem>>)
        } else {
        }
        %jit3A = arith.constant 8 : i32
        %div3A = arith.divsi %add3A_79, %jit3A : i32
        %sign3A = arith.constant 0 : i32
        %sign3A_89 = arith.cmpi sgt, %add3A_79, %sign3A : i32
        %sign3A_90 = arith.extui %sign3A_89 : i1 to i32
        %sign3A_91 = arith.constant 0 : i32
        %sign3A_92 = arith.cmpi slt, %add3A_79, %sign3A_91 : i32
        %sign3A_93 = arith.extui %sign3A_92 : i1 to i32
        %sign3A_94 = arith.subi %sign3A_90, %sign3A_93 : i32
        %sign3A_95 = arith.constant 0 : i32
        %sign3A_96 = arith.cmpi sgt, %jit3A, %sign3A_95 : i32
        %sign3A_97 = arith.extui %sign3A_96 : i1 to i32
        %sign3A_98 = arith.constant 0 : i32
        %sign3A_99 = arith.cmpi slt, %jit3A, %sign3A_98 : i32
        %sign3A_100 = arith.extui %sign3A_99 : i1 to i32
        %sign3A_101 = arith.subi %sign3A_97, %sign3A_100 : i32
        %ne3A = arith.cmpi ne, %sign3A_94, %sign3A_101 : i32
        %rem3A = arith.remsi %add3A_79, %jit3A : i32
        %ne3A_102 = arith.constant 0 : i32
        %ne3A_103 = arith.cmpi ne, %rem3A, %ne3A_102 : i32
        %and3A = arith.andi %ne3A, %ne3A_103 : i1
        %sub3A_104 = arith.constant 1 : i32
        %sub3A_105 = arith.subi %div3A, %sub3A_104 : i32
        %select_n3A = arith.select %and3A, %sub3A_105, %div3A : i32
        %jit3A_106 = arith.constant 8 : i32
        %eq3A = arith.constant 0 : i32
        %eq3A_107 = arith.cmpi eq, %jit3A_106, %eq3A : i32
        %jit3A_108 = arith.constant 1 : i32
        %select_n3A_109 = arith.select %eq3A_107, %jit3A_108, %jit3A_106 : i32
        %rem3A_110 = arith.remsi %add3A_79, %select_n3A_109 : i32
        %ne3A_111 = arith.constant 0 : i32
        %ne3A_112 = arith.cmpi ne, %rem3A_110, %ne3A_111 : i32
        %lt3A_113 = arith.constant 0 : i32
        %lt3A_114 = arith.cmpi slt, %rem3A_110, %lt3A_113 : i32
        %lt3A_115 = arith.constant 0 : i32
        %lt3A_116 = arith.cmpi slt, %select_n3A_109, %lt3A_115 : i32
        %ne3A_117 = arith.xori %lt3A_114, %lt3A_116 : i1
        %and3A_118 = arith.andi %ne3A_117, %ne3A_112 : i1
        %add3A_119 = arith.addi %rem3A_110, %select_n3A_109 : i32
        %select_n3A_120 = arith.select %and3A_118, %add3A_119, %rem3A_110 : i32
        %mul3A_121 = arith.constant 16 : i32
        %mul3A_122 = arith.muli %select_n3A_120, %mul3A_121 : i32
        %dma_wait3A_123 = arith.constant 0 : i32
        %dma_wait3A_124 = arith.constant 0 : i32
        %dma_wait3A_125 = arith.constant 0 : i32
        %dma_wait3A_126 = arith.constant 0 : i32
        %dma_wait3A_127 = tpu.memref_slice %run_scoped3A_5[%dma_wait3A_123, %dma_wait3A_125, %dma_wait3A_126] : memref<4x16x1024xf32, #tpu.memory_space<vmem>> -> memref<1x16x1024xf32, #tpu.memory_space<vmem>>
        %dma_wait3A_128 = tpu.memref_squeeze %dma_wait3A_127 : memref<1x16x1024xf32, #tpu.memory_space<vmem>> -> memref<16x1024xf32, #tpu.memory_space<vmem>>
        %dma_wait3A_129 = tpu.memref_slice %run_scoped3A[%select_n3A, %mul3A_122] : memref<32x128xi32, #tpu.memory_space<vmem>> -> memref<1x16xi32, #tpu.memory_space<vmem>>
        %dma_wait3A_130 = tpu.memref_squeeze %dma_wait3A_129 : memref<1x16xi32, #tpu.memory_space<vmem>> -> memref<16xi32, #tpu.memory_space<vmem>>
        %dma_wait3A_131 = arith.constant 0 : i32
        %dma_wait3A_132 = arith.constant 0 : i32
        %dma_wait3A_133 = tpu.memref_slice %arg4[%dma_wait3A_131, %dma_wait3A_132] : memref<32128x1024xf32, #tpu.memory_space<hbm>> -> memref<32128x1024xf32, #tpu.memory_space<hbm>>
        %dma_wait3A_134 = tpu.memref_slice %run_scoped3A_6[%dma_wait3A_124] : memref<4x!tpu.dma_semaphore, #tpu.memory_space<semaphore_mem>> -> memref<1x!tpu.dma_semaphore, #tpu.memory_space<semaphore_mem>>
        %dma_wait3A_135 = tpu.memref_squeeze %dma_wait3A_134 : memref<1x!tpu.dma_semaphore, #tpu.memory_space<semaphore_mem>> -> memref<!tpu.dma_semaphore, #tpu.memory_space<semaphore_mem>>
        tpu.wait_indirect_dma semaphore(%dma_wait3A_135 : memref<!tpu.dma_semaphore, #tpu.memory_space<semaphore_mem>>) src(%dma_wait3A_133 : memref<32128x1024xf32, #tpu.memory_space<hbm>>) dst(%dma_wait3A_128 : memref<16x1024xf32, #tpu.memory_space<vmem>>)
        %mul3A_136 = arith.constant 16 : i32
        %mul3A_137 = arith.muli %add3A_79, %mul3A_136 : i32
        %add3A_138 = arith.addi %mul3A_4, %mul3A_137 : i32
        %dma_start3A_139 = arith.constant 0 : i32
        %dma_start3A_140 = arith.constant 0 : i32
        %dma_start3A_141 = arith.constant 0 : i32
        %dma_start3A_142 = arith.constant 0 : i32
        %dma_start3A_143 = tpu.memref_slice %run_scoped3A_5[%dma_start3A_139, %dma_start3A_141, %dma_start3A_142] : memref<4x16x1024xf32, #tpu.memory_space<vmem>> -> memref<1x16x1024xf32, #tpu.memory_space<vmem>>
        %dma_start3A_144 = tpu.memref_squeeze %dma_start3A_143 : memref<1x16x1024xf32, #tpu.memory_space<vmem>> -> memref<16x1024xf32, #tpu.memory_space<vmem>>
        %dma_start3A_145 = arith.constant 0 : i32
        %dma_start3A_146 = tpu.memref_slice %arg7[%add3A_138, %dma_start3A_145] : memref<131072x1024xf32, #tpu.memory_space<hbm>> -> memref<16x1024xf32, #tpu.memory_space<hbm>>
        %dma_start3A_147 = tpu.memref_slice %run_scoped3A_7[%dma_start3A_140] : memref<4x!tpu.dma_semaphore, #tpu.memory_space<semaphore_mem>> -> memref<1x!tpu.dma_semaphore, #tpu.memory_space<semaphore_mem>>
        %dma_start3A_148 = tpu.memref_squeeze %dma_start3A_147 : memref<1x!tpu.dma_semaphore, #tpu.memory_space<semaphore_mem>> -> memref<!tpu.dma_semaphore, #tpu.memory_space<semaphore_mem>>
        %dma_start3A_149 = arith.constant 0 : i32
        %dma_start3A_150 = tpu.memref_slice %arg7[%add3A_138, %dma_start3A_149] : memref<131072x1024xf32, #tpu.memory_space<hbm>> -> memref<16x1024xf32, #tpu.memory_space<hbm>>
        %dma_start3A_151 = arith.constant 0 : i32
        %dma_start3A_152 = arith.constant 0 : i32
        %dma_start3A_153 = tpu.memref_slice %run_scoped3A_5[%dma_start3A_139, %dma_start3A_151, %dma_start3A_152] : memref<4x16x1024xf32, #tpu.memory_space<vmem>> -> memref<1x16x1024xf32, #tpu.memory_space<vmem>>
        %dma_start3A_154 = tpu.memref_squeeze %dma_start3A_153 : memref<1x16x1024xf32, #tpu.memory_space<vmem>> -> memref<16x1024xf32, #tpu.memory_space<vmem>>
        tpu.enqueue_dma source(%dma_start3A_154 : memref<16x1024xf32, #tpu.memory_space<vmem>>) target(%dma_start3A_150 : memref<16x1024xf32, #tpu.memory_space<hbm>>) target_semaphore(%dma_start3A_148 : memref<!tpu.dma_semaphore, #tpu.memory_space<semaphore_mem>>)
        %add3A_155 = arith.constant 1 : i32
        %add3A_156 = arith.addi %add3A_77, %add3A_155 : i32
        %ge3A_157 = arith.constant 1 : i32
        %ge3A_158 = arith.cmpi sge, %add3A_156, %ge3A_157 : i32
        %convert_element_type3A_159 = arith.extui %ge3A_158 : i1 to i32
        %cond3A_160 = arith.constant 0 : i32
        %cond3A_161 = arith.cmpi ne, %convert_element_type3A_159, %cond3A_160 : i32
        scf.if %cond3A_161 {
          %sub3A_425 = arith.constant 1 : i32
          %sub3A_426 = arith.subi %add3A_156, %sub3A_425 : i32
          %mul3A_427 = arith.constant 16 : i32
          %mul3A_428 = arith.muli %sub3A_426, %mul3A_427 : i32
          %add3A_429 = arith.addi %mul3A_4, %mul3A_428 : i32
          %dma_wait3A_430 = arith.constant 0 : i32
          %dma_wait3A_431 = arith.constant 0 : i32
          %dma_wait3A_432 = arith.constant 0 : i32
          %dma_wait3A_433 = arith.constant 0 : i32
          %dma_wait3A_434 = tpu.memref_slice %run_scoped3A_5[%dma_wait3A_430, %dma_wait3A_432, %dma_wait3A_433] : memref<4x16x1024xf32, #tpu.memory_space<vmem>> -> memref<1x16x1024xf32, #tpu.memory_space<vmem>>
          %dma_wait3A_435 = tpu.memref_squeeze %dma_wait3A_434 : memref<1x16x1024xf32, #tpu.memory_space<vmem>> -> memref<16x1024xf32, #tpu.memory_space<vmem>>
          %dma_wait3A_436 = arith.constant 0 : i32
          %dma_wait3A_437 = tpu.memref_slice %arg7[%add3A_429, %dma_wait3A_436] : memref<131072x1024xf32, #tpu.memory_space<hbm>> -> memref<16x1024xf32, #tpu.memory_space<hbm>>
          %dma_wait3A_438 = tpu.memref_slice %run_scoped3A_7[%dma_wait3A_431] : memref<4x!tpu.dma_semaphore, #tpu.memory_space<semaphore_mem>> -> memref<1x!tpu.dma_semaphore, #tpu.memory_space<semaphore_mem>>
          %dma_wait3A_439 = tpu.memref_squeeze %dma_wait3A_438 : memref<1x!tpu.dma_semaphore, #tpu.memory_space<semaphore_mem>> -> memref<!tpu.dma_semaphore, #tpu.memory_space<semaphore_mem>>
          %dma_wait3A_440 = arith.constant 0 : i32
          %dma_wait3A_441 = tpu.memref_slice %arg7[%add3A_429, %dma_wait3A_440] : memref<131072x1024xf32, #tpu.memory_space<hbm>> -> memref<16x1024xf32, #tpu.memory_space<hbm>>
          %dma_wait3A_442 = arith.constant 0 : i32
          %dma_wait3A_443 = arith.constant 0 : i32
          %dma_wait3A_444 = tpu.memref_slice %run_scoped3A_5[%dma_wait3A_430, %dma_wait3A_442, %dma_wait3A_443] : memref<4x16x1024xf32, #tpu.memory_space<vmem>> -> memref<1x16x1024xf32, #tpu.memory_space<vmem>>
          %dma_wait3A_445 = tpu.memref_squeeze %dma_wait3A_444 : memref<1x16x1024xf32, #tpu.memory_space<vmem>> -> memref<16x1024xf32, #tpu.memory_space<vmem>>
          tpu.wait_dma2 semaphore(%dma_wait3A_439 : memref<!tpu.dma_semaphore, #tpu.memory_space<semaphore_mem>>) src(%dma_wait3A_445 : memref<16x1024xf32, #tpu.memory_space<vmem>>) dst(%dma_wait3A_441 : memref<16x1024xf32, #tpu.memory_space<hbm>>)
        } else {
        }
        %add3A_162 = arith.constant 4 : i32
        %add3A_163 = arith.addi %add3A_156, %add3A_162 : i32
        %sub3A_164 = arith.constant 1 : i32
        %sub3A_165 = arith.subi %add3A_163, %sub3A_164 : i32
        %lt3A_166 = arith.constant 256 : i32
        %lt3A_167 = arith.cmpi slt, %sub3A_165, %lt3A_166 : i32
        %convert_element_type3A_168 = arith.extui %lt3A_167 : i1 to i32
        %cond3A_169 = arith.constant 0 : i32
        %cond3A_170 = arith.cmpi ne, %convert_element_type3A_168, %cond3A_169 : i32
        scf.if %cond3A_170 {
          %add3A_425 = arith.constant 4 : i32
          %add3A_426 = arith.addi %add3A_156, %add3A_425 : i32
          %sub3A_427 = arith.constant 1 : i32
          %sub3A_428 = arith.subi %add3A_426, %sub3A_427 : i32
          %jit3A_429 = arith.constant 8 : i32
          %div3A_430 = arith.divsi %sub3A_428, %jit3A_429 : i32
          %sign3A_431 = arith.constant 0 : i32
          %sign3A_432 = arith.cmpi sgt, %sub3A_428, %sign3A_431 : i32
          %sign3A_433 = arith.extui %sign3A_432 : i1 to i32
          %sign3A_434 = arith.constant 0 : i32
          %sign3A_435 = arith.cmpi slt, %sub3A_428, %sign3A_434 : i32
          %sign3A_436 = arith.extui %sign3A_435 : i1 to i32
          %sign3A_437 = arith.subi %sign3A_433, %sign3A_436 : i32
          %sign3A_438 = arith.constant 0 : i32
          %sign3A_439 = arith.cmpi sgt, %jit3A_429, %sign3A_438 : i32
          %sign3A_440 = arith.extui %sign3A_439 : i1 to i32
          %sign3A_441 = arith.constant 0 : i32
          %sign3A_442 = arith.cmpi slt, %jit3A_429, %sign3A_441 : i32
          %sign3A_443 = arith.extui %sign3A_442 : i1 to i32
          %sign3A_444 = arith.subi %sign3A_440, %sign3A_443 : i32
          %ne3A_445 = arith.cmpi ne, %sign3A_437, %sign3A_444 : i32
          %rem3A_446 = arith.remsi %sub3A_428, %jit3A_429 : i32
          %ne3A_447 = arith.constant 0 : i32
          %ne3A_448 = arith.cmpi ne, %rem3A_446, %ne3A_447 : i32
          %and3A_449 = arith.andi %ne3A_445, %ne3A_448 : i1
          %sub3A_450 = arith.constant 1 : i32
          %sub3A_451 = arith.subi %div3A_430, %sub3A_450 : i32
          %select_n3A_452 = arith.select %and3A_449, %sub3A_451, %div3A_430 : i32
          %jit3A_453 = arith.constant 8 : i32
          %eq3A_454 = arith.constant 0 : i32
          %eq3A_455 = arith.cmpi eq, %jit3A_453, %eq3A_454 : i32
          %jit3A_456 = arith.constant 1 : i32
          %select_n3A_457 = arith.select %eq3A_455, %jit3A_456, %jit3A_453 : i32
          %rem3A_458 = arith.remsi %sub3A_428, %select_n3A_457 : i32
          %ne3A_459 = arith.constant 0 : i32
          %ne3A_460 = arith.cmpi ne, %rem3A_458, %ne3A_459 : i32
          %lt3A_461 = arith.constant 0 : i32
          %lt3A_462 = arith.cmpi slt, %rem3A_458, %lt3A_461 : i32
          %lt3A_463 = arith.constant 0 : i32
          %lt3A_464 = arith.cmpi slt, %select_n3A_457, %lt3A_463 : i32
          %ne3A_465 = arith.xori %lt3A_462, %lt3A_464 : i1
          %and3A_466 = arith.andi %ne3A_465, %ne3A_460 : i1
          %add3A_467 = arith.addi %rem3A_458, %select_n3A_457 : i32
          %select_n3A_468 = arith.select %and3A_466, %add3A_467, %rem3A_458 : i32
          %mul3A_469 = arith.constant 16 : i32
          %mul3A_470 = arith.muli %select_n3A_468, %mul3A_469 : i32
          %dma_start3A_471 = arith.constant 0 : i32
          %dma_start3A_472 = arith.constant 0 : i32
          %dma_start3A_473 = arith.constant 0 : i32
          %dma_start3A_474 = arith.constant 0 : i32
          %dma_start3A_475 = tpu.memref_slice %run_scoped3A_5[%dma_start3A_471, %dma_start3A_473, %dma_start3A_474] : memref<4x16x1024xf32, #tpu.memory_space<vmem>> -> memref<1x16x1024xf32, #tpu.memory_space<vmem>>
          %dma_start3A_476 = tpu.memref_squeeze %dma_start3A_475 : memref<1x16x1024xf32, #tpu.memory_space<vmem>> -> memref<16x1024xf32, #tpu.memory_space<vmem>>
          %dma_start3A_477 = tpu.memref_slice %run_scoped3A[%select_n3A_452, %mul3A_470] : memref<32x128xi32, #tpu.memory_space<vmem>> -> memref<1x16xi32, #tpu.memory_space<vmem>>
          %dma_start3A_478 = tpu.memref_squeeze %dma_start3A_477 : memref<1x16xi32, #tpu.memory_space<vmem>> -> memref<16xi32, #tpu.memory_space<vmem>>
          %dma_start3A_479 = arith.constant 0 : i32
          %dma_start3A_480 = arith.constant 0 : i32
          %dma_start3A_481 = tpu.memref_slice %arg4[%dma_start3A_479, %dma_start3A_480] : memref<32128x1024xf32, #tpu.memory_space<hbm>> -> memref<32128x1024xf32, #tpu.memory_space<hbm>>
          %dma_start3A_482 = tpu.memref_slice %run_scoped3A_6[%dma_start3A_472] : memref<4x!tpu.dma_semaphore, #tpu.memory_space<semaphore_mem>> -> memref<1x!tpu.dma_semaphore, #tpu.memory_space<semaphore_mem>>
          %dma_start3A_483 = tpu.memref_squeeze %dma_start3A_482 : memref<1x!tpu.dma_semaphore, #tpu.memory_space<semaphore_mem>> -> memref<!tpu.dma_semaphore, #tpu.memory_space<semaphore_mem>>
          tpu.enqueue_indirect_dma source(%dma_start3A_481 : memref<32128x1024xf32, #tpu.memory_space<hbm>>) target(%dma_start3A_476 : memref<16x1024xf32, #tpu.memory_space<vmem>>) offsets(%dma_start3A_478 : memref<16xi32, #tpu.memory_space<vmem>>) semaphore(%dma_start3A_483 : memref<!tpu.dma_semaphore, #tpu.memory_space<semaphore_mem>>)
        } else {
        }
        %jit3A_171 = arith.constant 8 : i32
        %div3A_172 = arith.divsi %add3A_156, %jit3A_171 : i32
        %sign3A_173 = arith.constant 0 : i32
        %sign3A_174 = arith.cmpi sgt, %add3A_156, %sign3A_173 : i32
        %sign3A_175 = arith.extui %sign3A_174 : i1 to i32
        %sign3A_176 = arith.constant 0 : i32
        %sign3A_177 = arith.cmpi slt, %add3A_156, %sign3A_176 : i32
        %sign3A_178 = arith.extui %sign3A_177 : i1 to i32
        %sign3A_179 = arith.subi %sign3A_175, %sign3A_178 : i32
        %sign3A_180 = arith.constant 0 : i32
        %sign3A_181 = arith.cmpi sgt, %jit3A_171, %sign3A_180 : i32
        %sign3A_182 = arith.extui %sign3A_181 : i1 to i32
        %sign3A_183 = arith.constant 0 : i32
        %sign3A_184 = arith.cmpi slt, %jit3A_171, %sign3A_183 : i32
        %sign3A_185 = arith.extui %sign3A_184 : i1 to i32
        %sign3A_186 = arith.subi %sign3A_182, %sign3A_185 : i32
        %ne3A_187 = arith.cmpi ne, %sign3A_179, %sign3A_186 : i32
        %rem3A_188 = arith.remsi %add3A_156, %jit3A_171 : i32
        %ne3A_189 = arith.constant 0 : i32
        %ne3A_190 = arith.cmpi ne, %rem3A_188, %ne3A_189 : i32
        %and3A_191 = arith.andi %ne3A_187, %ne3A_190 : i1
        %sub3A_192 = arith.constant 1 : i32
        %sub3A_193 = arith.subi %div3A_172, %sub3A_192 : i32
        %select_n3A_194 = arith.select %and3A_191, %sub3A_193, %div3A_172 : i32
        %jit3A_195 = arith.constant 8 : i32
        %eq3A_196 = arith.constant 0 : i32
        %eq3A_197 = arith.cmpi eq, %jit3A_195, %eq3A_196 : i32
        %jit3A_198 = arith.constant 1 : i32
        %select_n3A_199 = arith.select %eq3A_197, %jit3A_198, %jit3A_195 : i32
        %rem3A_200 = arith.remsi %add3A_156, %select_n3A_199 : i32
        %ne3A_201 = arith.constant 0 : i32
        %ne3A_202 = arith.cmpi ne, %rem3A_200, %ne3A_201 : i32
        %lt3A_203 = arith.constant 0 : i32
        %lt3A_204 = arith.cmpi slt, %rem3A_200, %lt3A_203 : i32
        %lt3A_205 = arith.constant 0 : i32
        %lt3A_206 = arith.cmpi slt, %select_n3A_199, %lt3A_205 : i32
        %ne3A_207 = arith.xori %lt3A_204, %lt3A_206 : i1
        %and3A_208 = arith.andi %ne3A_207, %ne3A_202 : i1
        %add3A_209 = arith.addi %rem3A_200, %select_n3A_199 : i32
        %select_n3A_210 = arith.select %and3A_208, %add3A_209, %rem3A_200 : i32
        %mul3A_211 = arith.constant 16 : i32
        %mul3A_212 = arith.muli %select_n3A_210, %mul3A_211 : i32
        %dma_wait3A_213 = arith.constant 1 : i32
        %dma_wait3A_214 = arith.constant 1 : i32
        %dma_wait3A_215 = arith.constant 0 : i32
        %dma_wait3A_216 = arith.constant 0 : i32
        %dma_wait3A_217 = tpu.memref_slice %run_scoped3A_5[%dma_wait3A_213, %dma_wait3A_215, %dma_wait3A_216] : memref<4x16x1024xf32, #tpu.memory_space<vmem>> -> memref<1x16x1024xf32, #tpu.memory_space<vmem>>
        %dma_wait3A_218 = tpu.memref_squeeze %dma_wait3A_217 : memref<1x16x1024xf32, #tpu.memory_space<vmem>> -> memref<16x1024xf32, #tpu.memory_space<vmem>>
        %dma_wait3A_219 = tpu.memref_slice %run_scoped3A[%select_n3A_194, %mul3A_212] : memref<32x128xi32, #tpu.memory_space<vmem>> -> memref<1x16xi32, #tpu.memory_space<vmem>>
        %dma_wait3A_220 = tpu.memref_squeeze %dma_wait3A_219 : memref<1x16xi32, #tpu.memory_space<vmem>> -> memref<16xi32, #tpu.memory_space<vmem>>
        %dma_wait3A_221 = arith.constant 0 : i32
        %dma_wait3A_222 = arith.constant 0 : i32
        %dma_wait3A_223 = tpu.memref_slice %arg4[%dma_wait3A_221, %dma_wait3A_222] : memref<32128x1024xf32, #tpu.memory_space<hbm>> -> memref<32128x1024xf32, #tpu.memory_space<hbm>>
        %dma_wait3A_224 = tpu.memref_slice %run_scoped3A_6[%dma_wait3A_214] : memref<4x!tpu.dma_semaphore, #tpu.memory_space<semaphore_mem>> -> memref<1x!tpu.dma_semaphore, #tpu.memory_space<semaphore_mem>>
        %dma_wait3A_225 = tpu.memref_squeeze %dma_wait3A_224 : memref<1x!tpu.dma_semaphore, #tpu.memory_space<semaphore_mem>> -> memref<!tpu.dma_semaphore, #tpu.memory_space<semaphore_mem>>
        tpu.wait_indirect_dma semaphore(%dma_wait3A_225 : memref<!tpu.dma_semaphore, #tpu.memory_space<semaphore_mem>>) src(%dma_wait3A_223 : memref<32128x1024xf32, #tpu.memory_space<hbm>>) dst(%dma_wait3A_218 : memref<16x1024xf32, #tpu.memory_space<vmem>>)
        %mul3A_226 = arith.constant 16 : i32
        %mul3A_227 = arith.muli %add3A_156, %mul3A_226 : i32
        %add3A_228 = arith.addi %mul3A_4, %mul3A_227 : i32
        %dma_start3A_229 = arith.constant 1 : i32
        %dma_start3A_230 = arith.constant 1 : i32
        %dma_start3A_231 = arith.constant 0 : i32
        %dma_start3A_232 = arith.constant 0 : i32
        %dma_start3A_233 = tpu.memref_slice %run_scoped3A_5[%dma_start3A_229, %dma_start3A_231, %dma_start3A_232] : memref<4x16x1024xf32, #tpu.memory_space<vmem>> -> memref<1x16x1024xf32, #tpu.memory_space<vmem>>
        %dma_start3A_234 = tpu.memref_squeeze %dma_start3A_233 : memref<1x16x1024xf32, #tpu.memory_space<vmem>> -> memref<16x1024xf32, #tpu.memory_space<vmem>>
        %dma_start3A_235 = arith.constant 0 : i32
        %dma_start3A_236 = tpu.memref_slice %arg7[%add3A_228, %dma_start3A_235] : memref<131072x1024xf32, #tpu.memory_space<hbm>> -> memref<16x1024xf32, #tpu.memory_space<hbm>>
        %dma_start3A_237 = tpu.memref_slice %run_scoped3A_7[%dma_start3A_230] : memref<4x!tpu.dma_semaphore, #tpu.memory_space<semaphore_mem>> -> memref<1x!tpu.dma_semaphore, #tpu.memory_space<semaphore_mem>>
        %dma_start3A_238 = tpu.memref_squeeze %dma_start3A_237 : memref<1x!tpu.dma_semaphore, #tpu.memory_space<semaphore_mem>> -> memref<!tpu.dma_semaphore, #tpu.memory_space<semaphore_mem>>
        %dma_start3A_239 = arith.constant 0 : i32
        %dma_start3A_240 = tpu.memref_slice %arg7[%add3A_228, %dma_start3A_239] : memref<131072x1024xf32, #tpu.memory_space<hbm>> -> memref<16x1024xf32, #tpu.memory_space<hbm>>
        %dma_start3A_241 = arith.constant 0 : i32
        %dma_start3A_242 = arith.constant 0 : i32
        %dma_start3A_243 = tpu.memref_slice %run_scoped3A_5[%dma_start3A_229, %dma_start3A_241, %dma_start3A_242] : memref<4x16x1024xf32, #tpu.memory_space<vmem>> -> memref<1x16x1024xf32, #tpu.memory_space<vmem>>
        %dma_start3A_244 = tpu.memref_squeeze %dma_start3A_243 : memref<1x16x1024xf32, #tpu.memory_space<vmem>> -> memref<16x1024xf32, #tpu.memory_space<vmem>>
        tpu.enqueue_dma source(%dma_start3A_244 : memref<16x1024xf32, #tpu.memory_space<vmem>>) target(%dma_start3A_240 : memref<16x1024xf32, #tpu.memory_space<hbm>>) target_semaphore(%dma_start3A_238 : memref<!tpu.dma_semaphore, #tpu.memory_space<semaphore_mem>>)
        %add3A_245 = arith.constant 2 : i32
        %add3A_246 = arith.addi %add3A_77, %add3A_245 : i32
        %ge3A_247 = arith.constant 1 : i32
        %ge3A_248 = arith.cmpi sge, %add3A_246, %ge3A_247 : i32
        %convert_element_type3A_249 = arith.extui %ge3A_248 : i1 to i32
        %cond3A_250 = arith.constant 0 : i32
        %cond3A_251 = arith.cmpi ne, %convert_element_type3A_249, %cond3A_250 : i32
        scf.if %cond3A_251 {
          %sub3A_425 = arith.constant 1 : i32
          %sub3A_426 = arith.subi %add3A_246, %sub3A_425 : i32
          %mul3A_427 = arith.constant 16 : i32
          %mul3A_428 = arith.muli %sub3A_426, %mul3A_427 : i32
          %add3A_429 = arith.addi %mul3A_4, %mul3A_428 : i32
          %dma_wait3A_430 = arith.constant 1 : i32
          %dma_wait3A_431 = arith.constant 1 : i32
          %dma_wait3A_432 = arith.constant 0 : i32
          %dma_wait3A_433 = arith.constant 0 : i32
          %dma_wait3A_434 = tpu.memref_slice %run_scoped3A_5[%dma_wait3A_430, %dma_wait3A_432, %dma_wait3A_433] : memref<4x16x1024xf32, #tpu.memory_space<vmem>> -> memref<1x16x1024xf32, #tpu.memory_space<vmem>>
          %dma_wait3A_435 = tpu.memref_squeeze %dma_wait3A_434 : memref<1x16x1024xf32, #tpu.memory_space<vmem>> -> memref<16x1024xf32, #tpu.memory_space<vmem>>
          %dma_wait3A_436 = arith.constant 0 : i32
          %dma_wait3A_437 = tpu.memref_slice %arg7[%add3A_429, %dma_wait3A_436] : memref<131072x1024xf32, #tpu.memory_space<hbm>> -> memref<16x1024xf32, #tpu.memory_space<hbm>>
          %dma_wait3A_438 = tpu.memref_slice %run_scoped3A_7[%dma_wait3A_431] : memref<4x!tpu.dma_semaphore, #tpu.memory_space<semaphore_mem>> -> memref<1x!tpu.dma_semaphore, #tpu.memory_space<semaphore_mem>>
          %dma_wait3A_439 = tpu.memref_squeeze %dma_wait3A_438 : memref<1x!tpu.dma_semaphore, #tpu.memory_space<semaphore_mem>> -> memref<!tpu.dma_semaphore, #tpu.memory_space<semaphore_mem>>
          %dma_wait3A_440 = arith.constant 0 : i32
          %dma_wait3A_441 = tpu.memref_slice %arg7[%add3A_429, %dma_wait3A_440] : memref<131072x1024xf32, #tpu.memory_space<hbm>> -> memref<16x1024xf32, #tpu.memory_space<hbm>>
          %dma_wait3A_442 = arith.constant 0 : i32
          %dma_wait3A_443 = arith.constant 0 : i32
          %dma_wait3A_444 = tpu.memref_slice %run_scoped3A_5[%dma_wait3A_430, %dma_wait3A_442, %dma_wait3A_443] : memref<4x16x1024xf32, #tpu.memory_space<vmem>> -> memref<1x16x1024xf32, #tpu.memory_space<vmem>>
          %dma_wait3A_445 = tpu.memref_squeeze %dma_wait3A_444 : memref<1x16x1024xf32, #tpu.memory_space<vmem>> -> memref<16x1024xf32, #tpu.memory_space<vmem>>
          tpu.wait_dma2 semaphore(%dma_wait3A_439 : memref<!tpu.dma_semaphore, #tpu.memory_space<semaphore_mem>>) src(%dma_wait3A_445 : memref<16x1024xf32, #tpu.memory_space<vmem>>) dst(%dma_wait3A_441 : memref<16x1024xf32, #tpu.memory_space<hbm>>)
        } else {
        }
        %add3A_252 = arith.constant 4 : i32
        %add3A_253 = arith.addi %add3A_246, %add3A_252 : i32
        %sub3A_254 = arith.constant 1 : i32
        %sub3A_255 = arith.subi %add3A_253, %sub3A_254 : i32
        %lt3A_256 = arith.constant 256 : i32
        %lt3A_257 = arith.cmpi slt, %sub3A_255, %lt3A_256 : i32
        %convert_element_type3A_258 = arith.extui %lt3A_257 : i1 to i32
        %cond3A_259 = arith.constant 0 : i32
        %cond3A_260 = arith.cmpi ne, %convert_element_type3A_258, %cond3A_259 : i32
        scf.if %cond3A_260 {
          %add3A_425 = arith.constant 4 : i32
          %add3A_426 = arith.addi %add3A_246, %add3A_425 : i32
          %sub3A_427 = arith.constant 1 : i32
          %sub3A_428 = arith.subi %add3A_426, %sub3A_427 : i32
          %jit3A_429 = arith.constant 8 : i32
          %div3A_430 = arith.divsi %sub3A_428, %jit3A_429 : i32
          %sign3A_431 = arith.constant 0 : i32
          %sign3A_432 = arith.cmpi sgt, %sub3A_428, %sign3A_431 : i32
          %sign3A_433 = arith.extui %sign3A_432 : i1 to i32
          %sign3A_434 = arith.constant 0 : i32
          %sign3A_435 = arith.cmpi slt, %sub3A_428, %sign3A_434 : i32
          %sign3A_436 = arith.extui %sign3A_435 : i1 to i32
          %sign3A_437 = arith.subi %sign3A_433, %sign3A_436 : i32
          %sign3A_438 = arith.constant 0 : i32
          %sign3A_439 = arith.cmpi sgt, %jit3A_429, %sign3A_438 : i32
          %sign3A_440 = arith.extui %sign3A_439 : i1 to i32
          %sign3A_441 = arith.constant 0 : i32
          %sign3A_442 = arith.cmpi slt, %jit3A_429, %sign3A_441 : i32
          %sign3A_443 = arith.extui %sign3A_442 : i1 to i32
          %sign3A_444 = arith.subi %sign3A_440, %sign3A_443 : i32
          %ne3A_445 = arith.cmpi ne, %sign3A_437, %sign3A_444 : i32
          %rem3A_446 = arith.remsi %sub3A_428, %jit3A_429 : i32
          %ne3A_447 = arith.constant 0 : i32
          %ne3A_448 = arith.cmpi ne, %rem3A_446, %ne3A_447 : i32
          %and3A_449 = arith.andi %ne3A_445, %ne3A_448 : i1
          %sub3A_450 = arith.constant 1 : i32
          %sub3A_451 = arith.subi %div3A_430, %sub3A_450 : i32
          %select_n3A_452 = arith.select %and3A_449, %sub3A_451, %div3A_430 : i32
          %jit3A_453 = arith.constant 8 : i32
          %eq3A_454 = arith.constant 0 : i32
          %eq3A_455 = arith.cmpi eq, %jit3A_453, %eq3A_454 : i32
          %jit3A_456 = arith.constant 1 : i32
          %select_n3A_457 = arith.select %eq3A_455, %jit3A_456, %jit3A_453 : i32
          %rem3A_458 = arith.remsi %sub3A_428, %select_n3A_457 : i32
          %ne3A_459 = arith.constant 0 : i32
          %ne3A_460 = arith.cmpi ne, %rem3A_458, %ne3A_459 : i32
          %lt3A_461 = arith.constant 0 : i32
          %lt3A_462 = arith.cmpi slt, %rem3A_458, %lt3A_461 : i32
          %lt3A_463 = arith.constant 0 : i32
          %lt3A_464 = arith.cmpi slt, %select_n3A_457, %lt3A_463 : i32
          %ne3A_465 = arith.xori %lt3A_462, %lt3A_464 : i1
          %and3A_466 = arith.andi %ne3A_465, %ne3A_460 : i1
          %add3A_467 = arith.addi %rem3A_458, %select_n3A_457 : i32
          %select_n3A_468 = arith.select %and3A_466, %add3A_467, %rem3A_458 : i32
          %mul3A_469 = arith.constant 16 : i32
          %mul3A_470 = arith.muli %select_n3A_468, %mul3A_469 : i32
          %dma_start3A_471 = arith.constant 1 : i32
          %dma_start3A_472 = arith.constant 1 : i32
          %dma_start3A_473 = arith.constant 0 : i32
          %dma_start3A_474 = arith.constant 0 : i32
          %dma_start3A_475 = tpu.memref_slice %run_scoped3A_5[%dma_start3A_471, %dma_start3A_473, %dma_start3A_474] : memref<4x16x1024xf32, #tpu.memory_space<vmem>> -> memref<1x16x1024xf32, #tpu.memory_space<vmem>>
          %dma_start3A_476 = tpu.memref_squeeze %dma_start3A_475 : memref<1x16x1024xf32, #tpu.memory_space<vmem>> -> memref<16x1024xf32, #tpu.memory_space<vmem>>
          %dma_start3A_477 = tpu.memref_slice %run_scoped3A[%select_n3A_452, %mul3A_470] : memref<32x128xi32, #tpu.memory_space<vmem>> -> memref<1x16xi32, #tpu.memory_space<vmem>>
          %dma_start3A_478 = tpu.memref_squeeze %dma_start3A_477 : memref<1x16xi32, #tpu.memory_space<vmem>> -> memref<16xi32, #tpu.memory_space<vmem>>
          %dma_start3A_479 = arith.constant 0 : i32
          %dma_start3A_480 = arith.constant 0 : i32
          %dma_start3A_481 = tpu.memref_slice %arg4[%dma_start3A_479, %dma_start3A_480] : memref<32128x1024xf32, #tpu.memory_space<hbm>> -> memref<32128x1024xf32, #tpu.memory_space<hbm>>
          %dma_start3A_482 = tpu.memref_slice %run_scoped3A_6[%dma_start3A_472] : memref<4x!tpu.dma_semaphore, #tpu.memory_space<semaphore_mem>> -> memref<1x!tpu.dma_semaphore, #tpu.memory_space<semaphore_mem>>
          %dma_start3A_483 = tpu.memref_squeeze %dma_start3A_482 : memref<1x!tpu.dma_semaphore, #tpu.memory_space<semaphore_mem>> -> memref<!tpu.dma_semaphore, #tpu.memory_space<semaphore_mem>>
          tpu.enqueue_indirect_dma source(%dma_start3A_481 : memref<32128x1024xf32, #tpu.memory_space<hbm>>) target(%dma_start3A_476 : memref<16x1024xf32, #tpu.memory_space<vmem>>) offsets(%dma_start3A_478 : memref<16xi32, #tpu.memory_space<vmem>>) semaphore(%dma_start3A_483 : memref<!tpu.dma_semaphore, #tpu.memory_space<semaphore_mem>>)
        } else {
        }
        %jit3A_261 = arith.constant 8 : i32
        %div3A_262 = arith.divsi %add3A_246, %jit3A_261 : i32
        %sign3A_263 = arith.constant 0 : i32
        %sign3A_264 = arith.cmpi sgt, %add3A_246, %sign3A_263 : i32
        %sign3A_265 = arith.extui %sign3A_264 : i1 to i32
        %sign3A_266 = arith.constant 0 : i32
        %sign3A_267 = arith.cmpi slt, %add3A_246, %sign3A_266 : i32
        %sign3A_268 = arith.extui %sign3A_267 : i1 to i32
        %sign3A_269 = arith.subi %sign3A_265, %sign3A_268 : i32
        %sign3A_270 = arith.constant 0 : i32
        %sign3A_271 = arith.cmpi sgt, %jit3A_261, %sign3A_270 : i32
        %sign3A_272 = arith.extui %sign3A_271 : i1 to i32
        %sign3A_273 = arith.constant 0 : i32
        %sign3A_274 = arith.cmpi slt, %jit3A_261, %sign3A_273 : i32
        %sign3A_275 = arith.extui %sign3A_274 : i1 to i32
        %sign3A_276 = arith.subi %sign3A_272, %sign3A_275 : i32
        %ne3A_277 = arith.cmpi ne, %sign3A_269, %sign3A_276 : i32
        %rem3A_278 = arith.remsi %add3A_246, %jit3A_261 : i32
        %ne3A_279 = arith.constant 0 : i32
        %ne3A_280 = arith.cmpi ne, %rem3A_278, %ne3A_279 : i32
        %and3A_281 = arith.andi %ne3A_277, %ne3A_280 : i1
        %sub3A_282 = arith.constant 1 : i32
        %sub3A_283 = arith.subi %div3A_262, %sub3A_282 : i32
        %select_n3A_284 = arith.select %and3A_281, %sub3A_283, %div3A_262 : i32
        %jit3A_285 = arith.constant 8 : i32
        %eq3A_286 = arith.constant 0 : i32
        %eq3A_287 = arith.cmpi eq, %jit3A_285, %eq3A_286 : i32
        %jit3A_288 = arith.constant 1 : i32
        %select_n3A_289 = arith.select %eq3A_287, %jit3A_288, %jit3A_285 : i32
        %rem3A_290 = arith.remsi %add3A_246, %select_n3A_289 : i32
        %ne3A_291 = arith.constant 0 : i32
        %ne3A_292 = arith.cmpi ne, %rem3A_290, %ne3A_291 : i32
        %lt3A_293 = arith.constant 0 : i32
        %lt3A_294 = arith.cmpi slt, %rem3A_290, %lt3A_293 : i32
        %lt3A_295 = arith.constant 0 : i32
        %lt3A_296 = arith.cmpi slt, %select_n3A_289, %lt3A_295 : i32
        %ne3A_297 = arith.xori %lt3A_294, %lt3A_296 : i1
        %and3A_298 = arith.andi %ne3A_297, %ne3A_292 : i1
        %add3A_299 = arith.addi %rem3A_290, %select_n3A_289 : i32
        %select_n3A_300 = arith.select %and3A_298, %add3A_299, %rem3A_290 : i32
        %mul3A_301 = arith.constant 16 : i32
        %mul3A_302 = arith.muli %select_n3A_300, %mul3A_301 : i32
        %dma_wait3A_303 = arith.constant 2 : i32
        %dma_wait3A_304 = arith.constant 2 : i32
        %dma_wait3A_305 = arith.constant 0 : i32
        %dma_wait3A_306 = arith.constant 0 : i32
        %dma_wait3A_307 = tpu.memref_slice %run_scoped3A_5[%dma_wait3A_303, %dma_wait3A_305, %dma_wait3A_306] : memref<4x16x1024xf32, #tpu.memory_space<vmem>> -> memref<1x16x1024xf32, #tpu.memory_space<vmem>>
        %dma_wait3A_308 = tpu.memref_squeeze %dma_wait3A_307 : memref<1x16x1024xf32, #tpu.memory_space<vmem>> -> memref<16x1024xf32, #tpu.memory_space<vmem>>
        %dma_wait3A_309 = tpu.memref_slice %run_scoped3A[%select_n3A_284, %mul3A_302] : memref<32x128xi32, #tpu.memory_space<vmem>> -> memref<1x16xi32, #tpu.memory_space<vmem>>
        %dma_wait3A_310 = tpu.memref_squeeze %dma_wait3A_309 : memref<1x16xi32, #tpu.memory_space<vmem>> -> memref<16xi32, #tpu.memory_space<vmem>>
        %dma_wait3A_311 = arith.constant 0 : i32
        %dma_wait3A_312 = arith.constant 0 : i32
        %dma_wait3A_313 = tpu.memref_slice %arg4[%dma_wait3A_311, %dma_wait3A_312] : memref<32128x1024xf32, #tpu.memory_space<hbm>> -> memref<32128x1024xf32, #tpu.memory_space<hbm>>
        %dma_wait3A_314 = tpu.memref_slice %run_scoped3A_6[%dma_wait3A_304] : memref<4x!tpu.dma_semaphore, #tpu.memory_space<semaphore_mem>> -> memref<1x!tpu.dma_semaphore, #tpu.memory_space<semaphore_mem>>
        %dma_wait3A_315 = tpu.memref_squeeze %dma_wait3A_314 : memref<1x!tpu.dma_semaphore, #tpu.memory_space<semaphore_mem>> -> memref<!tpu.dma_semaphore, #tpu.memory_space<semaphore_mem>>
        tpu.wait_indirect_dma semaphore(%dma_wait3A_315 : memref<!tpu.dma_semaphore, #tpu.memory_space<semaphore_mem>>) src(%dma_wait3A_313 : memref<32128x1024xf32, #tpu.memory_space<hbm>>) dst(%dma_wait3A_308 : memref<16x1024xf32, #tpu.memory_space<vmem>>)
        %mul3A_316 = arith.constant 16 : i32
        %mul3A_317 = arith.muli %add3A_246, %mul3A_316 : i32
        %add3A_318 = arith.addi %mul3A_4, %mul3A_317 : i32
        %dma_start3A_319 = arith.constant 2 : i32
        %dma_start3A_320 = arith.constant 2 : i32
        %dma_start3A_321 = arith.constant 0 : i32
        %dma_start3A_322 = arith.constant 0 : i32
        %dma_start3A_323 = tpu.memref_slice %run_scoped3A_5[%dma_start3A_319, %dma_start3A_321, %dma_start3A_322] : memref<4x16x1024xf32, #tpu.memory_space<vmem>> -> memref<1x16x1024xf32, #tpu.memory_space<vmem>>
        %dma_start3A_324 = tpu.memref_squeeze %dma_start3A_323 : memref<1x16x1024xf32, #tpu.memory_space<vmem>> -> memref<16x1024xf32, #tpu.memory_space<vmem>>
        %dma_start3A_325 = arith.constant 0 : i32
        %dma_start3A_326 = tpu.memref_slice %arg7[%add3A_318, %dma_start3A_325] : memref<131072x1024xf32, #tpu.memory_space<hbm>> -> memref<16x1024xf32, #tpu.memory_space<hbm>>
        %dma_start3A_327 = tpu.memref_slice %run_scoped3A_7[%dma_start3A_320] : memref<4x!tpu.dma_semaphore, #tpu.memory_space<semaphore_mem>> -> memref<1x!tpu.dma_semaphore, #tpu.memory_space<semaphore_mem>>
        %dma_start3A_328 = tpu.memref_squeeze %dma_start3A_327 : memref<1x!tpu.dma_semaphore, #tpu.memory_space<semaphore_mem>> -> memref<!tpu.dma_semaphore, #tpu.memory_space<semaphore_mem>>
        %dma_start3A_329 = arith.constant 0 : i32
        %dma_start3A_330 = tpu.memref_slice %arg7[%add3A_318, %dma_start3A_329] : memref<131072x1024xf32, #tpu.memory_space<hbm>> -> memref<16x1024xf32, #tpu.memory_space<hbm>>
        %dma_start3A_331 = arith.constant 0 : i32
        %dma_start3A_332 = arith.constant 0 : i32
        %dma_start3A_333 = tpu.memref_slice %run_scoped3A_5[%dma_start3A_319, %dma_start3A_331, %dma_start3A_332] : memref<4x16x1024xf32, #tpu.memory_space<vmem>> -> memref<1x16x1024xf32, #tpu.memory_space<vmem>>
        %dma_start3A_334 = tpu.memref_squeeze %dma_start3A_333 : memref<1x16x1024xf32, #tpu.memory_space<vmem>> -> memref<16x1024xf32, #tpu.memory_space<vmem>>
        tpu.enqueue_dma source(%dma_start3A_334 : memref<16x1024xf32, #tpu.memory_space<vmem>>) target(%dma_start3A_330 : memref<16x1024xf32, #tpu.memory_space<hbm>>) target_semaphore(%dma_start3A_328 : memref<!tpu.dma_semaphore, #tpu.memory_space<semaphore_mem>>)
        %add3A_335 = arith.constant 3 : i32
        %add3A_336 = arith.addi %add3A_77, %add3A_335 : i32
        %ge3A_337 = arith.constant 1 : i32
        %ge3A_338 = arith.cmpi sge, %add3A_336, %ge3A_337 : i32
        %convert_element_type3A_339 = arith.extui %ge3A_338 : i1 to i32
        %cond3A_340 = arith.constant 0 : i32
        %cond3A_341 = arith.cmpi ne, %convert_element_type3A_339, %cond3A_340 : i32
        scf.if %cond3A_341 {
          %sub3A_425 = arith.constant 1 : i32
          %sub3A_426 = arith.subi %add3A_336, %sub3A_425 : i32
          %mul3A_427 = arith.constant 16 : i32
          %mul3A_428 = arith.muli %sub3A_426, %mul3A_427 : i32
          %add3A_429 = arith.addi %mul3A_4, %mul3A_428 : i32
          %dma_wait3A_430 = arith.constant 2 : i32
          %dma_wait3A_431 = arith.constant 2 : i32
          %dma_wait3A_432 = arith.constant 0 : i32
          %dma_wait3A_433 = arith.constant 0 : i32
          %dma_wait3A_434 = tpu.memref_slice %run_scoped3A_5[%dma_wait3A_430, %dma_wait3A_432, %dma_wait3A_433] : memref<4x16x1024xf32, #tpu.memory_space<vmem>> -> memref<1x16x1024xf32, #tpu.memory_space<vmem>>
          %dma_wait3A_435 = tpu.memref_squeeze %dma_wait3A_434 : memref<1x16x1024xf32, #tpu.memory_space<vmem>> -> memref<16x1024xf32, #tpu.memory_space<vmem>>
          %dma_wait3A_436 = arith.constant 0 : i32
          %dma_wait3A_437 = tpu.memref_slice %arg7[%add3A_429, %dma_wait3A_436] : memref<131072x1024xf32, #tpu.memory_space<hbm>> -> memref<16x1024xf32, #tpu.memory_space<hbm>>
          %dma_wait3A_438 = tpu.memref_slice %run_scoped3A_7[%dma_wait3A_431] : memref<4x!tpu.dma_semaphore, #tpu.memory_space<semaphore_mem>> -> memref<1x!tpu.dma_semaphore, #tpu.memory_space<semaphore_mem>>
          %dma_wait3A_439 = tpu.memref_squeeze %dma_wait3A_438 : memref<1x!tpu.dma_semaphore, #tpu.memory_space<semaphore_mem>> -> memref<!tpu.dma_semaphore, #tpu.memory_space<semaphore_mem>>
          %dma_wait3A_440 = arith.constant 0 : i32
          %dma_wait3A_441 = tpu.memref_slice %arg7[%add3A_429, %dma_wait3A_440] : memref<131072x1024xf32, #tpu.memory_space<hbm>> -> memref<16x1024xf32, #tpu.memory_space<hbm>>
          %dma_wait3A_442 = arith.constant 0 : i32
          %dma_wait3A_443 = arith.constant 0 : i32
          %dma_wait3A_444 = tpu.memref_slice %run_scoped3A_5[%dma_wait3A_430, %dma_wait3A_442, %dma_wait3A_443] : memref<4x16x1024xf32, #tpu.memory_space<vmem>> -> memref<1x16x1024xf32, #tpu.memory_space<vmem>>
          %dma_wait3A_445 = tpu.memref_squeeze %dma_wait3A_444 : memref<1x16x1024xf32, #tpu.memory_space<vmem>> -> memref<16x1024xf32, #tpu.memory_space<vmem>>
          tpu.wait_dma2 semaphore(%dma_wait3A_439 : memref<!tpu.dma_semaphore, #tpu.memory_space<semaphore_mem>>) src(%dma_wait3A_445 : memref<16x1024xf32, #tpu.memory_space<vmem>>) dst(%dma_wait3A_441 : memref<16x1024xf32, #tpu.memory_space<hbm>>)
        } else {
        }
        %add3A_342 = arith.constant 4 : i32
        %add3A_343 = arith.addi %add3A_336, %add3A_342 : i32
        %sub3A_344 = arith.constant 1 : i32
        %sub3A_345 = arith.subi %add3A_343, %sub3A_344 : i32
        %lt3A_346 = arith.constant 256 : i32
        %lt3A_347 = arith.cmpi slt, %sub3A_345, %lt3A_346 : i32
        %convert_element_type3A_348 = arith.extui %lt3A_347 : i1 to i32
        %cond3A_349 = arith.constant 0 : i32
        %cond3A_350 = arith.cmpi ne, %convert_element_type3A_348, %cond3A_349 : i32
        scf.if %cond3A_350 {
          %add3A_425 = arith.constant 4 : i32
          %add3A_426 = arith.addi %add3A_336, %add3A_425 : i32
          %sub3A_427 = arith.constant 1 : i32
          %sub3A_428 = arith.subi %add3A_426, %sub3A_427 : i32
          %jit3A_429 = arith.constant 8 : i32
          %div3A_430 = arith.divsi %sub3A_428, %jit3A_429 : i32
          %sign3A_431 = arith.constant 0 : i32
          %sign3A_432 = arith.cmpi sgt, %sub3A_428, %sign3A_431 : i32
          %sign3A_433 = arith.extui %sign3A_432 : i1 to i32
          %sign3A_434 = arith.constant 0 : i32
          %sign3A_435 = arith.cmpi slt, %sub3A_428, %sign3A_434 : i32
          %sign3A_436 = arith.extui %sign3A_435 : i1 to i32
          %sign3A_437 = arith.subi %sign3A_433, %sign3A_436 : i32
          %sign3A_438 = arith.constant 0 : i32
          %sign3A_439 = arith.cmpi sgt, %jit3A_429, %sign3A_438 : i32
          %sign3A_440 = arith.extui %sign3A_439 : i1 to i32
          %sign3A_441 = arith.constant 0 : i32
          %sign3A_442 = arith.cmpi slt, %jit3A_429, %sign3A_441 : i32
          %sign3A_443 = arith.extui %sign3A_442 : i1 to i32
          %sign3A_444 = arith.subi %sign3A_440, %sign3A_443 : i32
          %ne3A_445 = arith.cmpi ne, %sign3A_437, %sign3A_444 : i32
          %rem3A_446 = arith.remsi %sub3A_428, %jit3A_429 : i32
          %ne3A_447 = arith.constant 0 : i32
          %ne3A_448 = arith.cmpi ne, %rem3A_446, %ne3A_447 : i32
          %and3A_449 = arith.andi %ne3A_445, %ne3A_448 : i1
          %sub3A_450 = arith.constant 1 : i32
          %sub3A_451 = arith.subi %div3A_430, %sub3A_450 : i32
          %select_n3A_452 = arith.select %and3A_449, %sub3A_451, %div3A_430 : i32
          %jit3A_453 = arith.constant 8 : i32
          %eq3A_454 = arith.constant 0 : i32
          %eq3A_455 = arith.cmpi eq, %jit3A_453, %eq3A_454 : i32
          %jit3A_456 = arith.constant 1 : i32
          %select_n3A_457 = arith.select %eq3A_455, %jit3A_456, %jit3A_453 : i32
          %rem3A_458 = arith.remsi %sub3A_428, %select_n3A_457 : i32
          %ne3A_459 = arith.constant 0 : i32
          %ne3A_460 = arith.cmpi ne, %rem3A_458, %ne3A_459 : i32
          %lt3A_461 = arith.constant 0 : i32
          %lt3A_462 = arith.cmpi slt, %rem3A_458, %lt3A_461 : i32
          %lt3A_463 = arith.constant 0 : i32
          %lt3A_464 = arith.cmpi slt, %select_n3A_457, %lt3A_463 : i32
          %ne3A_465 = arith.xori %lt3A_462, %lt3A_464 : i1
          %and3A_466 = arith.andi %ne3A_465, %ne3A_460 : i1
          %add3A_467 = arith.addi %rem3A_458, %select_n3A_457 : i32
          %select_n3A_468 = arith.select %and3A_466, %add3A_467, %rem3A_458 : i32
          %mul3A_469 = arith.constant 16 : i32
          %mul3A_470 = arith.muli %select_n3A_468, %mul3A_469 : i32
          %dma_start3A_471 = arith.constant 2 : i32
          %dma_start3A_472 = arith.constant 2 : i32
          %dma_start3A_473 = arith.constant 0 : i32
          %dma_start3A_474 = arith.constant 0 : i32
          %dma_start3A_475 = tpu.memref_slice %run_scoped3A_5[%dma_start3A_471, %dma_start3A_473, %dma_start3A_474] : memref<4x16x1024xf32, #tpu.memory_space<vmem>> -> memref<1x16x1024xf32, #tpu.memory_space<vmem>>
          %dma_start3A_476 = tpu.memref_squeeze %dma_start3A_475 : memref<1x16x1024xf32, #tpu.memory_space<vmem>> -> memref<16x1024xf32, #tpu.memory_space<vmem>>
          %dma_start3A_477 = tpu.memref_slice %run_scoped3A[%select_n3A_452, %mul3A_470] : memref<32x128xi32, #tpu.memory_space<vmem>> -> memref<1x16xi32, #tpu.memory_space<vmem>>
          %dma_start3A_478 = tpu.memref_squeeze %dma_start3A_477 : memref<1x16xi32, #tpu.memory_space<vmem>> -> memref<16xi32, #tpu.memory_space<vmem>>
          %dma_start3A_479 = arith.constant 0 : i32
          %dma_start3A_480 = arith.constant 0 : i32
          %dma_start3A_481 = tpu.memref_slice %arg4[%dma_start3A_479, %dma_start3A_480] : memref<32128x1024xf32, #tpu.memory_space<hbm>> -> memref<32128x1024xf32, #tpu.memory_space<hbm>>
          %dma_start3A_482 = tpu.memref_slice %run_scoped3A_6[%dma_start3A_472] : memref<4x!tpu.dma_semaphore, #tpu.memory_space<semaphore_mem>> -> memref<1x!tpu.dma_semaphore, #tpu.memory_space<semaphore_mem>>
          %dma_start3A_483 = tpu.memref_squeeze %dma_start3A_482 : memref<1x!tpu.dma_semaphore, #tpu.memory_space<semaphore_mem>> -> memref<!tpu.dma_semaphore, #tpu.memory_space<semaphore_mem>>
          tpu.enqueue_indirect_dma source(%dma_start3A_481 : memref<32128x1024xf32, #tpu.memory_space<hbm>>) target(%dma_start3A_476 : memref<16x1024xf32, #tpu.memory_space<vmem>>) offsets(%dma_start3A_478 : memref<16xi32, #tpu.memory_space<vmem>>) semaphore(%dma_start3A_483 : memref<!tpu.dma_semaphore, #tpu.memory_space<semaphore_mem>>)
        } else {
        }
        %jit3A_351 = arith.constant 8 : i32
        %div3A_352 = arith.divsi %add3A_336, %jit3A_351 : i32
        %sign3A_353 = arith.constant 0 : i32
        %sign3A_354 = arith.cmpi sgt, %add3A_336, %sign3A_353 : i32
        %sign3A_355 = arith.extui %sign3A_354 : i1 to i32
        %sign3A_356 = arith.constant 0 : i32
        %sign3A_357 = arith.cmpi slt, %add3A_336, %sign3A_356 : i32
        %sign3A_358 = arith.extui %sign3A_357 : i1 to i32
        %sign3A_359 = arith.subi %sign3A_355, %sign3A_358 : i32
        %sign3A_360 = arith.constant 0 : i32
        %sign3A_361 = arith.cmpi sgt, %jit3A_351, %sign3A_360 : i32
        %sign3A_362 = arith.extui %sign3A_361 : i1 to i32
        %sign3A_363 = arith.constant 0 : i32
        %sign3A_364 = arith.cmpi slt, %jit3A_351, %sign3A_363 : i32
        %sign3A_365 = arith.extui %sign3A_364 : i1 to i32
        %sign3A_366 = arith.subi %sign3A_362, %sign3A_365 : i32
        %ne3A_367 = arith.cmpi ne, %sign3A_359, %sign3A_366 : i32
        %rem3A_368 = arith.remsi %add3A_336, %jit3A_351 : i32
        %ne3A_369 = arith.constant 0 : i32
        %ne3A_370 = arith.cmpi ne, %rem3A_368, %ne3A_369 : i32
        %and3A_371 = arith.andi %ne3A_367, %ne3A_370 : i1
        %sub3A_372 = arith.constant 1 : i32
        %sub3A_373 = arith.subi %div3A_352, %sub3A_372 : i32
        %select_n3A_374 = arith.select %and3A_371, %sub3A_373, %div3A_352 : i32
        %jit3A_375 = arith.constant 8 : i32
        %eq3A_376 = arith.constant 0 : i32
        %eq3A_377 = arith.cmpi eq, %jit3A_375, %eq3A_376 : i32
        %jit3A_378 = arith.constant 1 : i32
        %select_n3A_379 = arith.select %eq3A_377, %jit3A_378, %jit3A_375 : i32
        %rem3A_380 = arith.remsi %add3A_336, %select_n3A_379 : i32
        %ne3A_381 = arith.constant 0 : i32
        %ne3A_382 = arith.cmpi ne, %rem3A_380, %ne3A_381 : i32
        %lt3A_383 = arith.constant 0 : i32
        %lt3A_384 = arith.cmpi slt, %rem3A_380, %lt3A_383 : i32
        %lt3A_385 = arith.constant 0 : i32
        %lt3A_386 = arith.cmpi slt, %select_n3A_379, %lt3A_385 : i32
        %ne3A_387 = arith.xori %lt3A_384, %lt3A_386 : i1
        %and3A_388 = arith.andi %ne3A_387, %ne3A_382 : i1
        %add3A_389 = arith.addi %rem3A_380, %select_n3A_379 : i32
        %select_n3A_390 = arith.select %and3A_388, %add3A_389, %rem3A_380 : i32
        %mul3A_391 = arith.constant 16 : i32
        %mul3A_392 = arith.muli %select_n3A_390, %mul3A_391 : i32
        %dma_wait3A_393 = arith.constant 3 : i32
        %dma_wait3A_394 = arith.constant 3 : i32
        %dma_wait3A_395 = arith.constant 0 : i32
        %dma_wait3A_396 = arith.constant 0 : i32
        %dma_wait3A_397 = tpu.memref_slice %run_scoped3A_5[%dma_wait3A_393, %dma_wait3A_395, %dma_wait3A_396] : memref<4x16x1024xf32, #tpu.memory_space<vmem>> -> memref<1x16x1024xf32, #tpu.memory_space<vmem>>
        %dma_wait3A_398 = tpu.memref_squeeze %dma_wait3A_397 : memref<1x16x1024xf32, #tpu.memory_space<vmem>> -> memref<16x1024xf32, #tpu.memory_space<vmem>>
        %dma_wait3A_399 = tpu.memref_slice %run_scoped3A[%select_n3A_374, %mul3A_392] : memref<32x128xi32, #tpu.memory_space<vmem>> -> memref<1x16xi32, #tpu.memory_space<vmem>>
        %dma_wait3A_400 = tpu.memref_squeeze %dma_wait3A_399 : memref<1x16xi32, #tpu.memory_space<vmem>> -> memref<16xi32, #tpu.memory_space<vmem>>
        %dma_wait3A_401 = arith.constant 0 : i32
        %dma_wait3A_402 = arith.constant 0 : i32
        %dma_wait3A_403 = tpu.memref_slice %arg4[%dma_wait3A_401, %dma_wait3A_402] : memref<32128x1024xf32, #tpu.memory_space<hbm>> -> memref<32128x1024xf32, #tpu.memory_space<hbm>>
        %dma_wait3A_404 = tpu.memref_slice %run_scoped3A_6[%dma_wait3A_394] : memref<4x!tpu.dma_semaphore, #tpu.memory_space<semaphore_mem>> -> memref<1x!tpu.dma_semaphore, #tpu.memory_space<semaphore_mem>>
        %dma_wait3A_405 = tpu.memref_squeeze %dma_wait3A_404 : memref<1x!tpu.dma_semaphore, #tpu.memory_space<semaphore_mem>> -> memref<!tpu.dma_semaphore, #tpu.memory_space<semaphore_mem>>
        tpu.wait_indirect_dma semaphore(%dma_wait3A_405 : memref<!tpu.dma_semaphore, #tpu.memory_space<semaphore_mem>>) src(%dma_wait3A_403 : memref<32128x1024xf32, #tpu.memory_space<hbm>>) dst(%dma_wait3A_398 : memref<16x1024xf32, #tpu.memory_space<vmem>>)
        %mul3A_406 = arith.constant 16 : i32
        %mul3A_407 = arith.muli %add3A_336, %mul3A_406 : i32
        %add3A_408 = arith.addi %mul3A_4, %mul3A_407 : i32
        %dma_start3A_409 = arith.constant 3 : i32
        %dma_start3A_410 = arith.constant 3 : i32
        %dma_start3A_411 = arith.constant 0 : i32
        %dma_start3A_412 = arith.constant 0 : i32
        %dma_start3A_413 = tpu.memref_slice %run_scoped3A_5[%dma_start3A_409, %dma_start3A_411, %dma_start3A_412] : memref<4x16x1024xf32, #tpu.memory_space<vmem>> -> memref<1x16x1024xf32, #tpu.memory_space<vmem>>
        %dma_start3A_414 = tpu.memref_squeeze %dma_start3A_413 : memref<1x16x1024xf32, #tpu.memory_space<vmem>> -> memref<16x1024xf32, #tpu.memory_space<vmem>>
        %dma_start3A_415 = arith.constant 0 : i32
        %dma_start3A_416 = tpu.memref_slice %arg7[%add3A_408, %dma_start3A_415] : memref<131072x1024xf32, #tpu.memory_space<hbm>> -> memref<16x1024xf32, #tpu.memory_space<hbm>>
        %dma_start3A_417 = tpu.memref_slice %run_scoped3A_7[%dma_start3A_410] : memref<4x!tpu.dma_semaphore, #tpu.memory_space<semaphore_mem>> -> memref<1x!tpu.dma_semaphore, #tpu.memory_space<semaphore_mem>>
        %dma_start3A_418 = tpu.memref_squeeze %dma_start3A_417 : memref<1x!tpu.dma_semaphore, #tpu.memory_space<semaphore_mem>> -> memref<!tpu.dma_semaphore, #tpu.memory_space<semaphore_mem>>
        %dma_start3A_419 = arith.constant 0 : i32
        %dma_start3A_420 = tpu.memref_slice %arg7[%add3A_408, %dma_start3A_419] : memref<131072x1024xf32, #tpu.memory_space<hbm>> -> memref<16x1024xf32, #tpu.memory_space<hbm>>
        %dma_start3A_421 = arith.constant 0 : i32
        %dma_start3A_422 = arith.constant 0 : i32
        %dma_start3A_423 = tpu.memref_slice %run_scoped3A_5[%dma_start3A_409, %dma_start3A_421, %dma_start3A_422] : memref<4x16x1024xf32, #tpu.memory_space<vmem>> -> memref<1x16x1024xf32, #tpu.memory_space<vmem>>
        %dma_start3A_424 = tpu.memref_squeeze %dma_start3A_423 : memref<1x16x1024xf32, #tpu.memory_space<vmem>> -> memref<16x1024xf32, #tpu.memory_space<vmem>>
        tpu.enqueue_dma source(%dma_start3A_424 : memref<16x1024xf32, #tpu.memory_space<vmem>>) target(%dma_start3A_420 : memref<16x1024xf32, #tpu.memory_space<hbm>>) target_semaphore(%dma_start3A_418 : memref<!tpu.dma_semaphore, #tpu.memory_space<semaphore_mem>>)
      }
      %scan3A_55 = arith.constant 64 : i32
      %add3A_56 = arith.constant 4080 : i32
      %add3A_57 = arith.addi %mul3A_4, %add3A_56 : i32
      %dma_wait3A = arith.constant 3 : i32
      %dma_wait3A_58 = arith.constant 3 : i32
      %dma_wait3A_59 = arith.constant 0 : i32
      %dma_wait3A_60 = arith.constant 0 : i32
      %dma_wait3A_61 = tpu.memref_slice %run_scoped3A_5[%dma_wait3A, %dma_wait3A_59, %dma_wait3A_60] : memref<4x16x1024xf32, #tpu.memory_space<vmem>> -> memref<1x16x1024xf32, #tpu.memory_space<vmem>>
      %dma_wait3A_62 = tpu.memref_squeeze %dma_wait3A_61 : memref<1x16x1024xf32, #tpu.memory_space<vmem>> -> memref<16x1024xf32, #tpu.memory_space<vmem>>
      %dma_wait3A_63 = arith.constant 0 : i32
      %dma_wait3A_64 = tpu.memref_slice %arg7[%add3A_57, %dma_wait3A_63] : memref<131072x1024xf32, #tpu.memory_space<hbm>> -> memref<16x1024xf32, #tpu.memory_space<hbm>>
      %dma_wait3A_65 = tpu.memref_slice %run_scoped3A_7[%dma_wait3A_58] : memref<4x!tpu.dma_semaphore, #tpu.memory_space<semaphore_mem>> -> memref<1x!tpu.dma_semaphore, #tpu.memory_space<semaphore_mem>>
      %dma_wait3A_66 = tpu.memref_squeeze %dma_wait3A_65 : memref<1x!tpu.dma_semaphore, #tpu.memory_space<semaphore_mem>> -> memref<!tpu.dma_semaphore, #tpu.memory_space<semaphore_mem>>
      %dma_wait3A_67 = arith.constant 0 : i32
      %dma_wait3A_68 = tpu.memref_slice %arg7[%add3A_57, %dma_wait3A_67] : memref<131072x1024xf32, #tpu.memory_space<hbm>> -> memref<16x1024xf32, #tpu.memory_space<hbm>>
      %dma_wait3A_69 = arith.constant 0 : i32
      %dma_wait3A_70 = arith.constant 0 : i32
      %dma_wait3A_71 = tpu.memref_slice %run_scoped3A_5[%dma_wait3A, %dma_wait3A_69, %dma_wait3A_70] : memref<4x16x1024xf32, #tpu.memory_space<vmem>> -> memref<1x16x1024xf32, #tpu.memory_space<vmem>>
      %dma_wait3A_72 = tpu.memref_squeeze %dma_wait3A_71 : memref<1x16x1024xf32, #tpu.memory_space<vmem>> -> memref<16x1024xf32, #tpu.memory_space<vmem>>
      tpu.wait_dma2 semaphore(%dma_wait3A_66 : memref<!tpu.dma_semaphore, #tpu.memory_space<semaphore_mem>>) src(%dma_wait3A_72 : memref<16x1024xf32, #tpu.memory_space<vmem>>) dst(%dma_wait3A_68 : memref<16x1024xf32, #tpu.memory_space<hbm>>)
      tpu.yield
    }) : () -> ()
    return
  }
}

</mosaic_0001>

<sc_bundles>
// kernel: kernel.3.cloned.1.call-start
scs
__scs_entry_jumppad:
0x0: {  	(pc) =	sbr.rel $0x88, $3  }
0x1: {  	(tag) =	ssettag $0x0;
	lr =	simm.s32 $0x1  }
0x2: {  	[smem:$0x3F9D] =	sst lr;
	_ =	strace $0xD0000000  }
0x3: {  	_ = 	snop  }
0x4: {  	_ = 	snop  }
0x5: {  	_ = 	snop  }
0x6: {  	_ = 	snop  }
0x7: {  	_ = 	snop  }
__scs_overlays_trampoline_lowered:
0x8: {  	[smem:$0x3FAC] =	sst s0  }
0x9: {  	[smem:$0x3FAD] =	sst s1  }
0xa: {  	[smem:$0x3FAE] =	sst s2  }
0xb: {  	[smem:$0x3FAF] =	sst s3  }
0xc: {  	[smem:$0x3FB0] =	sst s4  }
0xd: {  	[smem:$0x3FB1] =	sst s5  }
0xe: {  	[smem:$0x3FB2] =	sst s6  }
0xf: {  	[smem:$0x3FB3] =	sst s7  }
0x10: {  	[smem:$0x3FB4] =	sst s8  }
0x11: {  	[smem:$0x3FB5] =	sst s9;
	s0 =	simm.s32 @!p0 $0x0  }
0x12: {  	s1 =	sld [smem:$0x3F9B];
	s0 =	simm.s32 @p0 $0x1  }
0x13: {  	[smem:$0x3FB6] =	sst s0;
	s0 =	simm.s32 @!p1 $0x0  }
0x14: {  	s2 =	sld [smem:$0x3F9A];
	s0 =	simm.s32 @p1 $0x1  }
0x15: {  	[smem:$0x3FB7] =	sst s0;
	s0 =	simm.s32 @!p2 $0x0  }
0x16: {  	s3 =	sld [smem:$0x3FDB];
	s0 =	simm.s32 @p2 $0x1  }
0x17: {  	s4 =	simm.s32 $0x1BF5;
	[smem:$0x3FB9] =	sst s0  }
0x18: {  	s0 =	sld [smem:$0x3F9C];
	_ =	swait.ge [sflag:s4], $0x0  }
0x19: {  	s7 =	sld [smem:$0x3F9D]  }
0x1a: {  	s8 =	sadd.s32 $0xFFFFE003, lr  }
0x1b: {  	s9 =	sadd.s32 $0xFFFFFEF7, lr;
	s5 =	simm.s32 $0xFFFFFFFF;
	p2 =	slt.u32 s8, $0xFFFFF086  }
0x1c: {  	p1 =	slt.u32 s9, $0xF7A;
	s5 =	simm.s32 @!p2 $0x0  }
0x1d: {  	s5 =	simm.s32 @p1 $0x1;
	p0 =	seq.s32 s7, s2  }
0x1e: {  	s7 =	smul.u32 @!p0 $0xF7A, s2;
	p2 =	seq.s32 @!p0 s5, $0x0  }
0x1f: {  	s9 =	smul.u32 $0xF7A, s1;
	s8 =	simm.s32 @!p0 $0x1BF5;
	p2 =	por !p2, p0  }
0x20: {  	[sflag:s8] =	ssyncset.s32 @!p0 $0xFFFFF086;
	s6 =	sadd.s32 @!p0 s3, s7;
	s7 =	simm.s32 @!p0 $0x108  }
0x21: {  	s3 =	sadd.s32 s3, s9;
	s6 =	sadd.s32 @!p0 $0x88, s6;
	s7 =	simm.s32 @p2 $0x1082  }
0x22: {  	[simem:s7], [sflag:s8] =	dma.local @!p0 [hbm:s6], $0xF7A  }
0x23: {  	s9 =	sor.u32 $0xD0000000, s2;
	s6 =	simm.s32 $0x108;
	_ =	swait.ge @!p0 [sflag:s8], $0x0  }
0x24: {  	s3 =	sadd.s32 $0x88, s3;
	s6 =	simm.s32 @!p1 $0x1082;
	[sflag:s4] =	ssyncset.s32 $0xFFFFF086  }
0x25: {  	[simem:s6], [sflag:s4] =	dma.local [hbm:s3], $0xF7A  }
0x26: {  	[smem:$0x3F9D] =	sst s1;
	(tag) =	ssettag s2;
	_ =	strace s9  }
0x27: {  	s1 =	sld [smem:$0x3FAD]  }
0x28: {  	s2 =	sld [smem:$0x3FAE]  }
0x29: {  	s4 =	sld [smem:$0x3FB0]  }
0x2a: {  	p0 =	seq.s32 s5, $0x0;
	s5 =	sld [smem:$0x3FB1]  }
0x2b: {  	s6 =	sld [smem:$0x3FB2]  }
0x2c: {  	s7 =	sld [smem:$0x3FB3]  }
0x2d: {  	s3 =	simm.s32 $0x108;
	s8 =	sld [smem:$0x3FB4]  }
0x2e: {  	s3 =	simm.s32 @!p0 $0x1082;
	s9 =	sld [smem:$0x3FB5]  }
0x2f: {  	lr =	sadd.s32 s0, s3;
	s0 =	sld [smem:$0x3FAC]  }
0x30: {  	s3 =	sld [smem:$0x3FAF]  }
0x31: {  	[smem:$0x3FB8] =	sst s10  }
0x32: {  	s10 =	sld [smem:$0x3FB6];
	_ =	sdelay $0x3  }
0x33: {  	p0 =	seq.s32 s10, $0x1;
	s10 =	sld [smem:$0x3FB8];
	_ =	sdelay $0x3  }
0x34: {  	[smem:$0x3FB8] =	sst s10  }
0x35: {  	s10 =	sld [smem:$0x3FB7];
	_ =	sdelay $0x3  }
0x36: {  	p1 =	seq.s32 s10, $0x1;
	s10 =	sld [smem:$0x3FB8];
	_ =	sdelay $0x3  }
0x37: {  	[smem:$0x3FB8] =	sst s10  }
0x38: {  	s10 =	sld [smem:$0x3FB9]  }
0x39: {  	_ = 	snop;
	(pc) =	sbr.ind lr, $3  }
0x3a: {  	_ = 	snop  }
0x3b: {  	_ = 	snop  }
0x3c: {  	p2 =	seq.s32 s10, $0x1;
	s10 =	sld [smem:$0x3FB8]  }
0x3d: {  	_ =	shalt  }
0x3e: {  	_ =	shalt  }
0x3f: {  	_ =	shalt  }
0x40: {  	_ =	shalt  }
0x41: {  	_ =	shalt  }
0x42: {  	_ =	shalt  }
0x43: {  	_ =	shalt  }
0x44: {  	_ =	shalt  }
0x45: {  	_ =	shalt  }
0x46: {  	_ =	shalt  }
0x47: {  	_ =	shalt  }
0x48: {  	_ =	shalt  }
0x49: {  	_ =	shalt  }
0x4a: {  	_ =	shalt  }
0x4b: {  	_ =	shalt  }
0x4c: {  	_ =	shalt  }
0x4d: {  	_ =	shalt  }
0x4e: {  	_ =	shalt  }
0x4f: {  	_ =	shalt  }
0x50: {  	_ =	shalt  }
0x51: {  	_ =	shalt  }
0x52: {  	_ =	shalt  }
0x53: {  	_ =	shalt  }
0x54: {  	_ =	shalt  }
0x55: {  	_ =	shalt  }
0x56: {  	_ =	shalt  }
0x57: {  	_ =	shalt  }
0x58: {  	_ =	shalt  }
0x59: {  	_ =	shalt  }
0x5a: {  	_ =	shalt  }
0x5b: {  	_ =	shalt  }
0x5c: {  	_ =	shalt  }
0x5d: {  	_ =	shalt  }
0x5e: {  	_ =	shalt  }
0x5f: {  	_ =	shalt  }
0x60: {  	_ =	shalt  }
0x61: {  	_ =	shalt  }
0x62: {  	_ =	shalt  }
0x63: {  	_ =	shalt  }
0x64: {  	_ =	shalt  }
0x65: {  	_ =	shalt  }
0x66: {  	_ =	shalt  }
0x67: {  	_ =	shalt  }
0x68: {  	_ =	shalt  }
0x69: {  	_ =	shalt  }
0x6a: {  	_ =	shalt  }
0x6b: {  	_ =	shalt  }
0x6c: {  	_ =	shalt  }
0x6d: {  	_ =	shalt  }
0x6e: {  	_ =	shalt  }
0x6f: {  	_ =	shalt  }
0x70: {  	_ =	shalt  }
0x71: {  	_ =	shalt  }
0x72: {  	_ =	shalt  }
0x73: {  	_ =	shalt  }
0x74: {  	_ =	shalt  }
0x75: {  	_ =	shalt  }
0x76: {  	_ =	shalt  }
0x77: {  	_ =	shalt  }
0x78: {  	_ =	shalt  }
0x79: {  	_ =	shalt  }
0x7a: {  	_ =	shalt  }
0x7b: {  	_ =	shalt  }
0x7c: {  	_ =	shalt  }
0x7d: {  	_ =	shalt  }
0x7e: {  	_ =	shalt  }
0x7f: {  	_ =	shalt  }
0x80: {  	_ =	shalt  }
0x81: {  	_ =	shalt  }
0x82: {  	_ =	shalt  }
0x83: {  	_ =	shalt  }
0x84: {  	_ =	shalt  }
0x85: {  	_ =	shalt  }
0x86: {  	_ =	shalt  }
0x87: {  	_ =	shalt  }
.Lfunc_end0:
.L_simem_size_0:
called_computation_lowered:
.L_overlay_start_0:
0x88: {  	s2 =	sld [smem:$0x3FD9]  }
0x89: {  	s3 =	sld [smem:$0x3FFE];
	_ =	sdelay $0x1  }
0x8a: {  	s1 =	srdreg.scid  }
0x8b: {  	s0 =	sand.u32 $0x1, s1  }
0x8c: {  	s14 =	sshll.u32 s0, $0xA;
	s2 =	sadd.s32 s3, s2  }
0x8d: {  	s2 =	sadd.s32 s2, s14  }
0x8e: {  	[smem:$0x3FC4] =	sst s2  }
0x8f: {  	_ = 	snop  }
0x90: {  	s2 =	sld [smem:$0x3FD0];
	_ =	sdelay $0x1  }
0x91: {  	s15 =	sld [smem:$0x3FC7]  }
0x92: {  	s5 =	simm.s32 $0xA;
	s6 =	simm.s32 $0x10;
	s4 =	sld [smem:$0x3FC6]  }
0x93: {  	[smem:s6], [sflag:s5] =	dma.local [hbm:s2], $0x1  }
0x94: {  	_ =	swait.eq [sflag:s5], $0x1  }
0x95: {  	[sflag:s5] =	ssyncset.done $0x0  }
0x96: {  	s16 =	sld [smem:$0x10];
	[sflag:s5] =	ssyncadd.s32 $0xFFFFFFFF  }
0x97: {  	s17 =	sld [smem:$0x11];
	(tm) =	ssettm $0x1  }
0x98: {  	s18 =	sld [smem:$0x3FFB];
	_ =	sdelay $0x3  }
0x99: {  	_ =	strace s18  }
0x9a: {  	s6 =	sld [smem:$0x3FFC];
	_ =	sdelay $0x3  }
0x9b: {  	_ =	strace s6  }
0x9c: {  	s6 =	sld [smem:$0x3FFD];
	_ =	sdelay $0x3  }
0x9d: {  	_ =	strace s6  }
0x9e: {  	_ =	strace $0x8FFFFFFF  }
0x9f: {  	s19 =	sld [smem:$0x3FDB];
	_ =	sdelay $0x1  }
0xa0: {  	s7 =	simm.s32 $_scs_section_size  }
0xa1: {  	s8 =	simm.s32 $_size__tile_overlayer_lowered;
	s9 =	simm.s32 $_tile_overlayer_lowered  }
0xa2: {  	s22 =	simm.s32 $0x1BFF;
	s21 =	sshll.u32 s9, $0x1;
	s6 =	sadd.s32 s7, s19  }
0xa3: {  	s10 =	simm.s32 $0x0;
	s20 =	sshll.u32 s8, $0x1;
	s8 =	sadd.s32 s21, s6  }
0xa4: {  	[timem:s10], [sflag:s22] =	dma.local [hbm:s8], s20  }
0xa5: {  	_ =	swait.ge [sflag:s22], s20  }
0xa6: {  	s7 =	ssub.s32 $0x0, s20;
	[sflag:s22] =	ssyncset.done $0x0  }
0xa7: {  	[sflag:s22] =	ssyncadd.s32 s7;
	_ =	sdelay $0x1  }
0xa8: {  	s23 =	simm.s32 $0x1B8B  }
0xa9: {  	_ =	swait.ge [sflag:s23], $0x1  }
0xaa: {  	[sflag:s23] =	ssyncset.done $0x0  }
0xab: {  	s25 =	simm.s32 $0x1B8E;
	s24 =	sld [smem:$0x3FFE];
	[sflag:s23] =	ssyncadd.s32 $0xFFFFFFFF  }
0xac: {  	s26 =	simm.s32 $execute0_lowered;
	[smem:$0x3FD2] =	sst s25  }
0xad: {  	s8 =	sshll.u32 s26, $0x1;
	_ =	strace $0x80000046;
	[dreg:$0x1] =	wrdreg $0xFFFFFFFF  }
0xae: {  	s28 =	simm.s32 $_size_execute0_lowered;
	s6 =	sadd.s32 s6, s8;
	[dreg:$0x0] =	wrdreg $0x0  }
0xaf: {  	s8 =	sshll.u32 s28, $0x1;
	[dreg:$0x2] =	wrdreg s6  }
0xb0: {  	[dreg:$0x3] =	wrdreg s8  }
0xb1: {  	[dreg:$0x4] =	wrdreg $0xC0  }
0xb2: {  	_ =	task [dreg:s10], $0x5FFFF  }
0xb3: {  	[dreg:$0x1] =	wrdreg $0xFFFFFFFF  }
0xb4: {  	[dreg:$0x0] =	wrdreg $0x60  }
0xb5: {  	[dreg:$0x2] =	wrdreg s15  }
0xb6: {  	[dreg:$0x3] =	wrdreg s24  }
0xb7: {  	[dreg:$0x4] =	wrdreg s4  }
0xb8: {  	[dreg:$0x5] =	wrdreg s16  }
0xb9: {  	[dreg:$0x6] =	wrdreg s17  }
0xba: {  	[dreg:$0x7] =	wrdreg $0x9  }
0xbb: {  	_ =	task.clear_ibuf [dreg:s10], $0x8FFFF;
	_ =	strace $0x90000046  }
0xbc: {  	s29 =	simm.s32 $0x9;
	_ =	strace $0x80000048  }
0xbd: {  	_ =	swait.ge [sflag:s29], $0x1  }
0xbe: {  	[sflag:s29] =	ssyncadd.s32 $0xFFFFFFFF  }
0xbf: {  	_ =	strace $0x90000048  }
0xc0: {  	_ =	sfence  }
0xc1: {  	s30 =	sld [smem:$0x0];
	_ =	sdelay $0x2  }
0xc2: {  	s31 =	sshll.u32 s1, $0xD;
	s1 =	sshrl.u32 s1, $0x2  }
0xc3: {  	s3 =	sand.u32 $0x4000, s31;
	s1 =	sadd.s32 s1, s30  }
0xc4: {  	s0 =	sor.u32 s3, s0;
	s1 =	sshll.u32 s1, $0x11  }
0xc5: {  	s0 =	sor.u32 s1, s0  }
0xc6: {  	s0 =	sadd.s32 $0x8F2B, s0  }
0xc7: {  	[sflag:s0] =	ssyncadd.remote.s32 $0x1  }
0xc8: {  	_ =	sfence.sel $0xFFFF  }
0xc9: {  	[dreg:$0x0] =	wrdreg $0xFFFFFFFF;
	(pc) =	sbr.abs _section_cstart, $3  }
0xca: {  	[dreg:$0x1] =	wrdreg $0xFFFFFFFF  }
0xcb: {  	_ =	task.clear_ibuf [dreg:s10], $0x2FFFF;
	_ =	strace $0x9FFFFFFF  }
0xcc: {  	(tm) =	ssettm $0x7FFFFFFF  }
0xcd: {  	_ =	shalt  }
tec
execute0_lowered:
.L_overlay_start_1:
0x0: {  	(tag) =	ssettag $0x1  }
0x1: {  	s0 =	rddreg [dreg:$0x0]  }
0x2: {  	s1 =	rddreg [dreg:$0x1]  }
0x3: {  	s2 =	rddreg [dreg:$0x2]  }
0x4: {  	s3 =	srdreg.scid;
	s5 =	rddreg [dreg:$0x3]  }
0x5: {  	s16 =	stileid.u32;
	s13 =	rddreg [dreg:$0x4];
	s4 =	simm.s32 $0x0  }
0x6: {  	s28 =	simm.s32 $0x2;
	s29 =	simm.s32 $0x6;
	s31 =	simm.s32 $0x3  }
0x7: {  	s20 =	simm.s32 $0x4;
	s19 =	simm.s32 $0x0;
	s3 =	sand.u32 $0x1, s3  }
0x8: {  	s6 =	sshll.u32 s16, $0xD;
	[smem:$0x7FF] =	sst s4;
	s8 =	sadd.s32 $0x300, s0  }
0x9: {  	s9 =	sadd.s32 $0x400, s0;
	s10 =	sadd.s32 $0x500, s0;
	s11 =	sadd.s32 $0x600, s0  }
0xa: {  	s12 =	sadd.s32 $0x700, s0;
	s14 =	sadd.s32 $0x100, s2;
	s24 =	sshll.u32 s16, $0x15  }
0xb: {  	s15 =	sadd.s32 $0x200, s2;
	s25 =	sshll.u32 s16, $0x14;
	s16 =	sadd.s32 $0x300, s2  }
0xc: {  	s7 =	sshll.u32 s3, $0xC;
	s21 =	ssub.s32 $0x2, s3;
	_ =	strace $0x80000047  }
0xd: {  	s18 =	sshll.u32 s3, $0x14;
	s6 =	sor.u32 s7, s6;
	s22 =	sshrl.u32 s21, $0x1  }
0xe: {  	s3 =	sshll.u32 s3, $0x13;
	s6 =	sshrl.u32 s6, $0x3;
	s17 =	ssub.s32 s21, s22  }
0xf: {  	s7 =	sadd.s32 $0x200, s0;
	s1 =	sadd.s32 s6, s1;
	s26 =	smax.u32 s17, $0x1  }
0x10: {  	s22 =	simm.s32 $0x1000;
	s23 =	sadd.s32 $0x800, s1;
	[dreg:$0x8] =	wrdreg s26  }
0x11: {  	s6 =	sadd.s32 $0x100, s0;
	s1 =	sadd.s32 $0x4800, s1;
	[dreg:$0x6] =	wrdreg s23  }
0x12: {  	s17 =	simm.s32 $0x9000;
	s26 =	simm.s32 $0x5;
	[dreg:$0x7] =	wrdreg s1  }
0x13: {  	s1 =	sadd.s32 s24, s5;
	s5 =	sadd.s32 s25, s13;
	s13 =	simm.s32 $0x5000  }
0x14: {  	s25 =	simm.s32 $0x1;
	s23 =	simm.s32 $0x5000;
	s1 =	sadd.s32 s18, s1  }
0x15: {  	v2 =	vlaneseq.u32;
	s24 =	simm.s32 $0x10800;
	s3 =	sadd.s32 s3, s5;
	s1 =	sadd.s32 $0x1000, s1  }
0x16: {  	vm0 =	vmmov $0xffff;
	v1 =	vshrl.u32 v2, $0x3;
	s5 =	simm.s32 $0x1000;
	s30 =	sadd.s32 $0x1000, s3;
	[dreg:$0x9] =	wrdreg s1  }
0x17: {  	v0 =	vand.u32 $0x7, v2;
	v2 =	vor.u32 $0x8, v2;
	v1 =	vmul.u32 $0x8, v1;
	s18 =	simm.s32 $0x7;
	s3 =	simm.s32 $0xD000;
	[dreg:$0xa] =	wrdreg s30  }
.LBB2_1:
0x18: {  	[dreg:$0xb] =	wrdreg s19  }
0x19: {  	s1 =	rddreg [dreg:$0x6];
	s21 =	simm.s32 $0x9  }
0x1a: {  	[tilespmem:s4], [sflag:$0x9] =	stream.linear.gather [hbm4b:s1+s4], $0x1000, $0x38;
	[tilespmem:$0x11000] =	vst v63  }
0x1b: {  	_ =	swait.ge [sflag:s21], $0x1000  }
0x1c: {  	[sflag:s21] =	ssyncset.done $0x0  }
0x1d: {  	[sflag:s21] =	ssyncadd.s32 $0xFFFFF000  }
0x1e: {  	v3 =	vld.msk [tilespmem:$0x0], $0xff;
	_ =	sdelay $0x4  }
0x1f: {  	v4 =	vshll.u32 v3, $0x4  }
0x20: {  	v3 =	vand.u32 $0x7, v3;
	v4 =	vand.u32 $0xFFFFFF80, v4  }
0x21: {  	v3 =	vor.u32 v3, v4  }
0x22: {  	v3 =	vperm.xlane v3, v0;
	_ =	sdelay $0x1  }
0x23: {  	v3 =	vadd.s32 v1, v3;
	_ =	sdelay $0x4  }
0x24: {  	[tilespmem:s5], [sflag:$0x1] =	stream.indirect_vreg.gather [hbm4b:s0+s4], $0x80, v3, vm0, $0xb8;
	[tilespmem:$0x11000] =	vst v63  }
0x25: {  	s19 =	simm.s32 $0x1800  }
0x26: {  	[tilespmem:s19], [sflag:$0x1] =	stream.indirect_vreg.gather [hbm4b:s6+s4], $0x80, v3, vm0, $0xb8;
	[tilespmem:$0x11000] =	vst v63  }
0x27: {  	s21 =	simm.s32 $0x2000  }
0x28: {  	[tilespmem:s21], [sflag:$0x1] =	stream.indirect_vreg.gather [hbm4b:s7+s4], $0x80, v3, vm0, $0xb8;
	[tilespmem:$0x11000] =	vst v63  }
0x29: {  	s5 =	simm.s32 $0x2800  }
0x2a: {  	[tilespmem:s5], [sflag:$0x1] =	stream.indirect_vreg.gather [hbm4b:s8+s4], $0x80, v3, vm0, $0xb8;
	[tilespmem:$0x11000] =	vst v63  }
0x2b: {  	s19 =	simm.s32 $0x3000  }
0x2c: {  	[tilespmem:s19], [sflag:$0x1] =	stream.indirect_vreg.gather [hbm4b:s9+s4], $0x80, v3, vm0, $0xb8;
	[tilespmem:$0x11000] =	vst v63  }
0x2d: {  	s21 =	simm.s32 $0x3800  }
0x2e: {  	[tilespmem:s21], [sflag:$0x1] =	stream.indirect_vreg.gather [hbm4b:s10+s4], $0x80, v3, vm0, $0xb8;
	[tilespmem:$0x11000] =	vst v63  }
0x2f: {  	s5 =	simm.s32 $0x4000  }
0x30: {  	[tilespmem:s5], [sflag:$0x1] =	stream.indirect_vreg.gather [hbm4b:s11+s4], $0x80, v3, vm0, $0xb8;
	[tilespmem:$0x11000] =	vst v63  }
0x31: {  	s19 =	simm.s32 $0x4800  }
0x32: {  	[tilespmem:s19], [sflag:$0x1] =	stream.indirect_vreg.gather [hbm4b:s12+s4], $0x80, v3, vm0, $0xb8;
	[tilespmem:$0x11000] =	vst v63  }
0x33: {  	v3 =	vld.msk [tilespmem:$0x8], $0xff;
	_ =	sdelay $0x4  }
0x34: {  	v62 =	vshll.u32 v3, $0x4  }
0x35: {  	v3 =	vand.u32 $0x7, v3;
	v4 =	vand.u32 $0xFFFFFF80, v62  }
0x36: {  	v3 =	vor.u32 v3, v4  }
0x37: {  	v3 =	vperm.xlane v3, v0;
	_ =	sdelay $0x1  }
0x38: {  	v3 =	vadd.s32 v1, v3;
	_ =	sdelay $0x4  }
0x39: {  	[tilespmem:s13], [sflag:$0x2] =	stream.indirect_vreg.gather [hbm4b:s0+s4], $0x80, v3, vm0, $0xb8;
	[tilespmem:$0x11000] =	vst v63  }
0x3a: {  	s21 =	simm.s32 $0x5800  }
0x3b: {  	[tilespmem:s21], [sflag:$0x2] =	stream.indirect_vreg.gather [hbm4b:s6+s4], $0x80, v3, vm0, $0xb8;
	[tilespmem:$0x11000] =	vst v63  }
0x3c: {  	s5 =	simm.s32 $0x6000  }
0x3d: {  	[tilespmem:s5], [sflag:$0x2] =	stream.indirect_vreg.gather [hbm4b:s7+s4], $0x80, v3, vm0, $0xb8;
	[tilespmem:$0x11000] =	vst v63  }
0x3e: {  	s13 =	simm.s32 $0x6800  }
0x3f: {  	[tilespmem:s13], [sflag:$0x2] =	stream.indirect_vreg.gather [hbm4b:s8+s4], $0x80, v3, vm0, $0xb8;
	[tilespmem:$0x11000] =	vst v63  }
0x40: {  	s19 =	simm.s32 $0x7000  }
0x41: {  	[tilespmem:s19], [sflag:$0x2] =	stream.indirect_vreg.gather [hbm4b:s9+s4], $0x80, v3, vm0, $0xb8;
	[tilespmem:$0x11000] =	vst v63  }
0x42: {  	s21 =	simm.s32 $0x7800  }
0x43: {  	[tilespmem:s21], [sflag:$0x2] =	stream.indirect_vreg.gather [hbm4b:s10+s4], $0x80, v3, vm0, $0xb8;
	[tilespmem:$0x11000] =	vst v63  }
0x44: {  	s5 =	simm.s32 $0x8000  }
0x45: {  	[tilespmem:s5], [sflag:$0x2] =	stream.indirect_vreg.gather [hbm4b:s11+s4], $0x80, v3, vm0, $0xb8;
	[tilespmem:$0x11000] =	vst v63  }
0x46: {  	s13 =	simm.s32 $0x8800  }
0x47: {  	[tilespmem:s13], [sflag:$0x2] =	stream.indirect_vreg.gather [hbm4b:s12+s4], $0x80, v3, vm0, $0xb8;
	[tilespmem:$0x11000] =	vst v63  }
0x48: {  	v3 =	vld.msk [tilespmem:$0x10], $0xff;
	_ =	sdelay $0x4  }
0x49: {  	v63 =	vshll.u32 v3, $0x4  }
0x4a: {  	v3 =	vand.u32 $0x7, v3;
	v4 =	vand.u32 $0xFFFFFF80, v63  }
0x4b: {  	v3 =	vor.u32 v3, v4  }
0x4c: {  	v3 =	vperm.xlane v3, v0;
	_ =	sdelay $0x1  }
0x4d: {  	v3 =	vadd.s32 v1, v3;
	_ =	sdelay $0x4  }
0x4e: {  	[tilespmem:s17], [sflag:$0x3] =	stream.indirect_vreg.gather [hbm4b:s0+s4], $0x80, v3, vm0, $0xb8;
	[tilespmem:$0x11000] =	vst v63  }
0x4f: {  	s19 =	simm.s32 $0x9800  }
0x50: {  	[tilespmem:s19], [sflag:$0x3] =	stream.indirect_vreg.gather [hbm4b:s6+s4], $0x80, v3, vm0, $0xb8;
	[tilespmem:$0x11000] =	vst v63  }
0x51: {  	s21 =	simm.s32 $0xA000  }
0x52: {  	[tilespmem:s21], [sflag:$0x3] =	stream.indirect_vreg.gather [hbm4b:s7+s4], $0x80, v3, vm0, $0xb8;
	[tilespmem:$0x11000] =	vst v63  }
0x53: {  	s5 =	simm.s32 $0xA800  }
0x54: {  	[tilespmem:s5], [sflag:$0x3] =	stream.indirect_vreg.gather [hbm4b:s8+s4], $0x80, v3, vm0, $0xb8;
	[tilespmem:$0x11000] =	vst v63  }
0x55: {  	s13 =	simm.s32 $0xB000  }
0x56: {  	[tilespmem:s13], [sflag:$0x3] =	stream.indirect_vreg.gather [hbm4b:s9+s4], $0x80, v3, vm0, $0xb8;
	[tilespmem:$0x11000] =	vst v63  }
0x57: {  	s17 =	simm.s32 $0xB800  }
0x58: {  	[tilespmem:s17], [sflag:$0x3] =	stream.indirect_vreg.gather [hbm4b:s10+s4], $0x80, v3, vm0, $0xb8;
	[tilespmem:$0x11000] =	vst v63  }
0x59: {  	s19 =	simm.s32 $0xC000  }
0x5a: {  	[tilespmem:s19], [sflag:$0x3] =	stream.indirect_vreg.gather [hbm4b:s11+s4], $0x80, v3, vm0, $0xb8;
	[tilespmem:$0x11000] =	vst v63  }
0x5b: {  	s30 =	rddreg [dreg:$0x9];
	s21 =	simm.s32 $0xC800  }
0x5c: {  	[tilespmem:s21], [sflag:$0x3] =	stream.indirect_vreg.gather [hbm4b:s12+s4], $0x80, v3, vm0, $0xb8;
	[tilespmem:$0x11000] =	vst v63  }
0x5d: {  	s17 =	simm.s32 $0x9000;
	s19 =	simm.s32 $0xC0;
	s21 =	simm.s32 $0x30  }
.LBB2_2:
0x5e: {  	p0 =	seq.s32 s19, $0xC0  }
0x5f: {  	s5 =	sadd.s32 $0xFFFFFF40, s19;
	s1 =	simm.s32 @!p0 $0x8  }
0x60: {  	s13 =	sadd.s32 $0xFFFFFFE8, s21;
	s5 =	sand.u32 $0x3E00, s5;
	_ =	swait.ge @!p0 [sflag:s1], $0x4000  }
0x61: {  	s13 =	sand.u32 $0x78, s13;
	s5 =	sshrl.u32 s5, $0x2;
	[sflag:s1] =	ssyncset.done @!p0 $0x0  }
0x62: {  	s13 =	sor.u32 s13, s5;
	[sflag:s1] =	ssyncadd.s32 @!p0 $0xFFFFC000  }
0x63: {  	v3 =	vld.msk [tilespmem:s13+$0x0], $0xff;
	_ =	sdelay $0x4  }
0x64: {  	v4 =	vshll.u32 v3, $0x4  }
0x65: {  	v3 =	vand.u32 $0x7, v3;
	v4 =	vand.u32 $0xFFFFFF80, v4  }
0x66: {  	v3 =	vor.u32 v3, v4  }
0x67: {  	v3 =	vperm.xlane v3, v0;
	_ =	sdelay $0x1  }
0x68: {  	v3 =	vadd.s32 v1, v3;
	_ =	sdelay $0x4  }
0x69: {  	[tilespmem:s3], [sflag:$0x4] =	stream.indirect_vreg.gather [hbm4b:s0+s4], $0x80, v3, vm0, $0xb8;
	[tilespmem:$0x11000] =	vst v63  }
0x6a: {  	s5 =	simm.s32 $0xD800  }
0x6b: {  	[tilespmem:s5], [sflag:$0x4] =	stream.indirect_vreg.gather [hbm4b:s6+s4], $0x80, v3, vm0, $0xb8;
	[tilespmem:$0x11000] =	vst v63  }
0x6c: {  	s13 =	simm.s32 $0xE000  }
0x6d: {  	[tilespmem:s13], [sflag:$0x4] =	stream.indirect_vreg.gather [hbm4b:s7+s4], $0x80, v3, vm0, $0xb8;
	[tilespmem:$0x11000] =	vst v63  }
0x6e: {  	s5 =	simm.s32 $0xE800  }
0x6f: {  	[tilespmem:s5], [sflag:$0x4] =	stream.indirect_vreg.gather [hbm4b:s8+s4], $0x80, v3, vm0, $0xb8;
	[tilespmem:$0x11000] =	vst v63  }
0x70: {  	s13 =	simm.s32 $0xF000  }
0x71: {  	[tilespmem:s13], [sflag:$0x4] =	stream.indirect_vreg.gather [hbm4b:s9+s4], $0x80, v3, vm0, $0xb8;
	[tilespmem:$0x11000] =	vst v63  }
0x72: {  	s5 =	simm.s32 $0xF800  }
0x73: {  	[tilespmem:s5], [sflag:$0x4] =	stream.indirect_vreg.gather [hbm4b:s10+s4], $0x80, v3, vm0, $0xb8;
	[tilespmem:$0x11000] =	vst v63  }
0x74: {  	s13 =	simm.s32 $0x10000  }
0x75: {  	[tilespmem:s13], [sflag:$0x4] =	stream.indirect_vreg.gather [hbm4b:s11+s4], $0x80, v3, vm0, $0xb8;
	[tilespmem:$0x11000] =	vst v63  }
0x76: {  	_ = 	snop  }
0x77: {  	[tilespmem:s24], [sflag:$0x4] =	stream.indirect_vreg.gather [hbm4b:s12+s4], $0x80, v3, vm0, $0xb8;
	[tilespmem:$0x11000] =	vst v63  }
0x78: {  	_ =	swait.ge [sflag:s25], $0x4000  }
0x79: {  	p0 =	seq.s32 s19, $0x4040;
	[sflag:s25] =	ssyncset.done $0x0  }
0x7a: {  	s1 =	sadd.s32 @!p0 $0xFFFFFFC0, s19;
	s5 =	sadd.s32 $0xFFFFF000, s30;
	[sflag:s25] =	ssyncadd.s32 $0xFFFFC000  }
0x7b: {  	[hbm4b:s5+s4] =	stream.linear.scatter [tilespmem:s22], [sflag:$0x5], $0x4000, $0x38;
	[tilespmem:$0x11000] =	vst v63  }
0x7c: {  	s1 =	sand.u32 @!p0 $0x7E00, s1;
	s5 =	sadd.s32 @!p0 $0xFFFFFFF0, s21;
	_ =	swait.ge [sflag:s26], $0x4000  }
0x7d: {  	s1 =	sshrl.u32 @!p0 s1, $0x2;
	s5 =	sand.u32 @!p0 $0x60, s5;
	[sflag:s26] =	ssyncset.done $0x0  }
0x7e: {  	s1 =	sor.u32 @!p0 s5, s1;
	[sflag:s26] =	ssyncadd.s32 $0xFFFFC000  }
0x7f: {  	v3 =	vld.msk @!p0 [tilespmem:s1+$0x0], $0xff;
	_ =	sdelay $0x4  }
0x80: {  	v4 =	vshll.u32 @!p0 v3, $0x4  }
0x81: {  	v5 =	vlaneseq.u32 @!p0;
	v3 =	vand.u32 @!p0 $0x7, v3;
	v4 =	vand.u32 @!p0 $0xFFFFFF80, v4  }
0x82: {  	v3 =	vor.u32 @!p0 v3, v4;
	v4 =	vand.u32 @!p0 $0x7, v5;
	v5 =	vshrl.u32 @!p0 v5, $0x3  }
0x83: {  	v3 =	vperm.xlane @!p0 v3, v4;
	v5 =	vmul.u32 @!p0 $0x8, v5;
	_ =	sdelay $0x1  }
0x84: {  	v3 =	vadd.s32 @!p0 v5, v3;
	_ =	sdelay $0x3  }
0x85: {  	vm1 =	vmmov @!p0 $0xffff;
	s5 =	simm.s32 @!p0 $0x1000;
	s1 =	simm.s32 @!p0 $0x0  }
0x86: {  	[tilespmem:s5], [sflag:$0x1] =	stream.indirect_vreg.gather @!p0 [hbm4b:s0+s1], $0x80, v3, vm1, $0xb8;
	[tilespmem:$0x11000] =	vst v63  }
0x87: {  	s5 =	simm.s32 @!p0 $0x1800  }
0x88: {  	[tilespmem:s5], [sflag:$0x1] =	stream.indirect_vreg.gather @!p0 [hbm4b:s6+s1], $0x80, v3, vm1, $0xb8;
	[tilespmem:$0x11000] =	vst v63  }
0x89: {  	s5 =	simm.s32 @!p0 $0x2000  }
0x8a: {  	[tilespmem:s5], [sflag:$0x1] =	stream.indirect_vreg.gather @!p0 [hbm4b:s7+s1], $0x80, v3, vm1, $0xb8;
	[tilespmem:$0x11000] =	vst v63  }
0x8b: {  	s5 =	simm.s32 @!p0 $0x2800  }
0x8c: {  	[tilespmem:s5], [sflag:$0x1] =	stream.indirect_vreg.gather @!p0 [hbm4b:s8+s1], $0x80, v3, vm1, $0xb8;
	[tilespmem:$0x11000] =	vst v63  }
0x8d: {  	s5 =	simm.s32 @!p0 $0x3000  }
0x8e: {  	[tilespmem:s5], [sflag:$0x1] =	stream.indirect_vreg.gather @!p0 [hbm4b:s9+s1], $0x80, v3, vm1, $0xb8;
	[tilespmem:$0x11000] =	vst v63  }
0x8f: {  	s5 =	simm.s32 @!p0 $0x3800  }
0x90: {  	[tilespmem:s5], [sflag:$0x1] =	stream.indirect_vreg.gather @!p0 [hbm4b:s10+s1], $0x80, v3, vm1, $0xb8;
	[tilespmem:$0x11000] =	vst v63  }
0x91: {  	s5 =	simm.s32 @!p0 $0x4000  }
0x92: {  	[tilespmem:s5], [sflag:$0x1] =	stream.indirect_vreg.gather @!p0 [hbm4b:s11+s1], $0x80, v3, vm1, $0xb8;
	[tilespmem:$0x11000] =	vst v63  }
0x93: {  	s5 =	simm.s32 @!p0 $0x4800  }
0x94: {  	[tilespmem:s5], [sflag:$0x1] =	stream.indirect_vreg.gather @!p0 [hbm4b:s12+s1], $0x80, v3, vm1, $0xb8;
	[tilespmem:$0x11000] =	vst v63  }
0x95: {  	_ =	swait.ge [sflag:s28], $0x4000  }
0x96: {  	[sflag:s28] =	ssyncset.done $0x0  }
0x97: {  	s13 =	sadd.s32 $0xFFFFF800, s30;
	s5 =	sadd.s32 @!p0 $0xFFFFFFE0, s19;
	[sflag:s28] =	ssyncadd.s32 $0xFFFFC000  }
0x98: {  	[hbm4b:s13+s4] =	stream.linear.scatter [tilespmem:s23], [sflag:$0x6], $0x4000, $0x38;
	[tilespmem:$0x11000] =	vst v63  }
0x99: {  	s5 =	sand.u32 @!p0 $0x7E00, s5;
	s13 =	sadd.s32 @!p0 $0xFFFFFFF8, s21;
	_ =	swait.ge [sflag:s29], $0x4000  }
0x9a: {  	s5 =	sshrl.u32 @!p0 s5, $0x2;
	s13 =	sand.u32 @!p0 $0x68, s13;
	[sflag:s29] =	ssyncset.done $0x0  }
0x9b: {  	s5 =	sor.u32 @!p0 s13, s5;
	[sflag:s29] =	ssyncadd.s32 $0xFFFFC000  }
0x9c: {  	v3 =	vld.msk @!p0 [tilespmem:s5+$0x0], $0xff;
	_ =	sdelay $0x4  }
0x9d: {  	v6 =	vshll.u32 @!p0 v3, $0x4  }
0x9e: {  	v3 =	vand.u32 @!p0 $0x7, v3;
	v6 =	vand.u32 @!p0 $0xFFFFFF80, v6  }
0x9f: {  	v3 =	vor.u32 @!p0 v3, v6  }
0xa0: {  	v3 =	vperm.xlane @!p0 v3, v4;
	_ =	sdelay $0x1  }
0xa1: {  	v3 =	vadd.s32 @!p0 v5, v3;
	_ =	sdelay $0x3  }
0xa2: {  	s5 =	simm.s32 @!p0 $0x5000  }
0xa3: {  	[tilespmem:s5], [sflag:$0x2] =	stream.indirect_vreg.gather @!p0 [hbm4b:s0+s1], $0x80, v3, vm1, $0xb8;
	[tilespmem:$0x11000] =	vst v63  }
0xa4: {  	s5 =	simm.s32 @!p0 $0x5800  }
0xa5: {  	[tilespmem:s5], [sflag:$0x2] =	stream.indirect_vreg.gather @!p0 [hbm4b:s6+s1], $0x80, v3, vm1, $0xb8;
	[tilespmem:$0x11000] =	vst v63  }
0xa6: {  	s5 =	simm.s32 @!p0 $0x6000  }
0xa7: {  	[tilespmem:s5], [sflag:$0x2] =	stream.indirect_vreg.gather @!p0 [hbm4b:s7+s1], $0x80, v3, vm1, $0xb8;
	[tilespmem:$0x11000] =	vst v63  }
0xa8: {  	s5 =	simm.s32 @!p0 $0x6800  }
0xa9: {  	[tilespmem:s5], [sflag:$0x2] =	stream.indirect_vreg.gather @!p0 [hbm4b:s8+s1], $0x80, v3, vm1, $0xb8;
	[tilespmem:$0x11000] =	vst v63  }
0xaa: {  	s5 =	simm.s32 @!p0 $0x7000  }
0xab: {  	[tilespmem:s5], [sflag:$0x2] =	stream.indirect_vreg.gather @!p0 [hbm4b:s9+s1], $0x80, v3, vm1, $0xb8;
	[tilespmem:$0x11000] =	vst v63  }
0xac: {  	s5 =	simm.s32 @!p0 $0x7800  }
0xad: {  	[tilespmem:s5], [sflag:$0x2] =	stream.indirect_vreg.gather @!p0 [hbm4b:s10+s1], $0x80, v3, vm1, $0xb8;
	[tilespmem:$0x11000] =	vst v63  }
0xae: {  	s5 =	simm.s32 @!p0 $0x8000  }
0xaf: {  	[tilespmem:s5], [sflag:$0x2] =	stream.indirect_vreg.gather @!p0 [hbm4b:s11+s1], $0x80, v3, vm1, $0xb8;
	[tilespmem:$0x11000] =	vst v63  }
0xb0: {  	s5 =	simm.s32 @!p0 $0x8800  }
0xb1: {  	[tilespmem:s5], [sflag:$0x2] =	stream.indirect_vreg.gather @!p0 [hbm4b:s12+s1], $0x80, v3, vm1, $0xb8;
	[tilespmem:$0x11000] =	vst v63  }
0xb2: {  	_ =	swait.ge [sflag:s31], $0x4000  }
0xb3: {  	[sflag:s31] =	ssyncset.done $0x0  }
0xb4: {  	[sflag:s31] =	ssyncadd.s32 $0xFFFFC000  }
0xb5: {  	[hbm4b:s30+s4] =	stream.linear.scatter [tilespmem:s17], [sflag:$0x7], $0x4000, $0x38;
	[tilespmem:$0x11000] =	vst v63  }
0xb6: {  	s5 =	sand.u32 @!p0 $0x7E00, s19;
	_ =	swait.ge [sflag:s18], $0x4000  }
0xb7: {  	s13 =	sand.u32 @!p0 $0x70, s21;
	s5 =	sshrl.u32 @!p0 s5, $0x2;
	[sflag:s18] =	ssyncset.done $0x0  }
0xb8: {  	s5 =	sor.u32 @!p0 s13, s5;
	[sflag:s18] =	ssyncadd.s32 $0xFFFFC000  }
0xb9: {  	v3 =	vld.msk @!p0 [tilespmem:s5+$0x0], $0xff;
	_ =	sdelay $0x4  }
0xba: {  	v6 =	vshll.u32 @!p0 v3, $0x4  }
0xbb: {  	v3 =	vand.u32 @!p0 $0x7, v3;
	v6 =	vand.u32 @!p0 $0xFFFFFF80, v6  }
0xbc: {  	v3 =	vor.u32 @!p0 v3, v6  }
0xbd: {  	v3 =	vperm.xlane @!p0 v3, v4;
	_ =	sdelay $0x1  }
0xbe: {  	v3 =	vadd.s32 @!p0 v5, v3;
	_ =	sdelay $0x3  }
0xbf: {  	s5 =	simm.s32 @!p0 $0x9000  }
0xc0: {  	[tilespmem:s5], [sflag:$0x3] =	stream.indirect_vreg.gather @!p0 [hbm4b:s0+s1], $0x80, v3, vm1, $0xb8;
	[tilespmem:$0x11000] =	vst v63  }
0xc1: {  	s5 =	simm.s32 @!p0 $0x9800  }
0xc2: {  	[tilespmem:s5], [sflag:$0x3] =	stream.indirect_vreg.gather @!p0 [hbm4b:s6+s1], $0x80, v3, vm1, $0xb8;
	[tilespmem:$0x11000] =	vst v63  }
0xc3: {  	s5 =	simm.s32 @!p0 $0xA000  }
0xc4: {  	[tilespmem:s5], [sflag:$0x3] =	stream.indirect_vreg.gather @!p0 [hbm4b:s7+s1], $0x80, v3, vm1, $0xb8;
	[tilespmem:$0x11000] =	vst v63  }
0xc5: {  	s5 =	simm.s32 @!p0 $0xA800  }
0xc6: {  	[tilespmem:s5], [sflag:$0x3] =	stream.indirect_vreg.gather @!p0 [hbm4b:s8+s1], $0x80, v3, vm1, $0xb8;
	[tilespmem:$0x11000] =	vst v63  }
0xc7: {  	s5 =	simm.s32 @!p0 $0xB000  }
0xc8: {  	[tilespmem:s5], [sflag:$0x3] =	stream.indirect_vreg.gather @!p0 [hbm4b:s9+s1], $0x80, v3, vm1, $0xb8;
	[tilespmem:$0x11000] =	vst v63  }
0xc9: {  	s5 =	simm.s32 @!p0 $0xB800  }
0xca: {  	[tilespmem:s5], [sflag:$0x3] =	stream.indirect_vreg.gather @!p0 [hbm4b:s10+s1], $0x80, v3, vm1, $0xb8;
	[tilespmem:$0x11000] =	vst v63  }
0xcb: {  	s5 =	simm.s32 @!p0 $0xC000  }
0xcc: {  	[tilespmem:s5], [sflag:$0x3] =	stream.indirect_vreg.gather @!p0 [hbm4b:s11+s1], $0x80, v3, vm1, $0xb8;
	[tilespmem:$0x11000] =	vst v63  }
0xcd: {  	s19 =	sadd.s32 $0x80, s19;
	s5 =	simm.s32 @!p0 $0xC800  }
0xce: {  	[tilespmem:s5], [sflag:$0x3] =	stream.indirect_vreg.gather @!p0 [hbm4b:s12+s1], $0x80, v3, vm1, $0xb8;
	[tilespmem:$0x11000] =	vst v63  }
0xcf: {  	p0 =	sne.s32 s19, $0x40C0  }
.Ltmp0:
0xd0: {  	_ = 	snop;
	(pc) =	sbr.rel @p0 .LBB2_2-.Ltmp0, $4  }
0xd1: {  	_ =	swait.ge [sflag:s20], $0x4000  }
0xd2: {  	s21 =	sadd.s32 $0x20, s21;
	[sflag:s20] =	ssyncset.done $0x0  }
0xd3: {  	s13 =	sadd.s32 $0x800, s30;
	s30 =	sadd.s32 $0x2000, s30;
	[sflag:s20] =	ssyncadd.s32 $0xFFFFC000  }
0xd4: {  	[hbm4b:s13+s4] =	stream.linear.scatter [tilespmem:s3], [sflag:$0x8], $0x4000, $0x38;
	[tilespmem:$0x11000] =	vst v63  }
0xd5: {  	s1 =	simm.s32 $0x8  }
0xd6: {  	_ =	swait.ge [sflag:s1], $0x4000  }
0xd7: {  	[sflag:s1] =	ssyncset.done $0x0  }
0xd8: {  	s19 =	simm.s32 $0x9;
	s13 =	rddreg [dreg:$0x7];
	[sflag:s1] =	ssyncadd.s32 $0xFFFFC000  }
0xd9: {  	[tilespmem:s4], [sflag:$0x9] =	stream.linear.gather [hbm4b:s13+s4], $0x1000, $0x38;
	[tilespmem:$0x11000] =	vst v63  }
0xda: {  	_ =	swait.ge [sflag:s19], $0x1000  }
0xdb: {  	[sflag:s19] =	ssyncset.done $0x0  }
0xdc: {  	[sflag:s19] =	ssyncadd.s32 $0xFFFFF000  }
0xdd: {  	v3 =	vld [tilespmem:$0x0];
	_ =	sdelay $0x4  }
0xde: {  	v4 =	vshll.u32 v3, $0x3  }
0xdf: {  	v3 =	vand.u32 $0x7, v3;
	v4 =	vand.u32 $0xFFFFFFC0, v4  }
0xe0: {  	v3 =	vor.u32 v3, v4  }
0xe1: {  	v4 =	vperm.xlane v3, v0;
	_ =	sdelay $0x1  }
0xe2: {  	v4 =	vadd.s32 v1, v4;
	_ =	sdelay $0x4  }
0xe3: {  	[tilespmem:s22], [sflag:$0x1] =	stream.indirect_vreg.gather [hbm4b:s2+s4], $0x80, v4, vm0, $0xb8;
	[tilespmem:$0x11000] =	vst v63  }
0xe4: {  	s21 =	simm.s32 $0x1800;
	v3 =	vperm.xlane v3, v2  }
0xe5: {  	[tilespmem:s21], [sflag:$0x1] =	stream.indirect_vreg.gather [hbm4b:s14+s4], $0x80, v4, vm0, $0xb8;
	[tilespmem:$0x11000] =	vst v63  }
0xe6: {  	s5 =	simm.s32 $0x2000;
	v3 =	vadd.s32 v1, v3  }
0xe7: {  	[tilespmem:s5], [sflag:$0x1] =	stream.indirect_vreg.gather [hbm4b:s15+s4], $0x80, v4, vm0, $0xb8;
	[tilespmem:$0x11000] =	vst v63  }
0xe8: {  	s13 =	simm.s32 $0x2800  }
0xe9: {  	[tilespmem:s13], [sflag:$0x1] =	stream.indirect_vreg.gather [hbm4b:s16+s4], $0x80, v4, vm0, $0xb8;
	[tilespmem:$0x11000] =	vst v63  }
0xea: {  	s19 =	simm.s32 $0x3000  }
0xeb: {  	[tilespmem:s19], [sflag:$0x1] =	stream.indirect_vreg.gather [hbm4b:s2+s4], $0x80, v3, vm0, $0xb8;
	[tilespmem:$0x11000] =	vst v63  }
0xec: {  	s21 =	simm.s32 $0x3800  }
0xed: {  	[tilespmem:s21], [sflag:$0x1] =	stream.indirect_vreg.gather [hbm4b:s14+s4], $0x80, v3, vm0, $0xb8;
	[tilespmem:$0x11000] =	vst v63  }
0xee: {  	s5 =	simm.s32 $0x4000  }
0xef: {  	[tilespmem:s5], [sflag:$0x1] =	stream.indirect_vreg.gather [hbm4b:s15+s4], $0x80, v3, vm0, $0xb8;
	[tilespmem:$0x11000] =	vst v63  }
0xf0: {  	s13 =	simm.s32 $0x4800  }
0xf1: {  	[tilespmem:s13], [sflag:$0x1] =	stream.indirect_vreg.gather [hbm4b:s16+s4], $0x80, v3, vm0, $0xb8;
	[tilespmem:$0x11000] =	vst v63  }
0xf2: {  	v3 =	vld [tilespmem:$0x10];
	_ =	sdelay $0x4  }
0xf3: {  	v62 =	vshll.u32 v3, $0x3  }
0xf4: {  	v3 =	vand.u32 $0x7, v3;
	v4 =	vand.u32 $0xFFFFFFC0, v62  }
0xf5: {  	v3 =	vor.u32 v3, v4  }
0xf6: {  	v4 =	vperm.xlane v3, v0;
	_ =	sdelay $0x1  }
0xf7: {  	v4 =	vadd.s32 v1, v4;
	_ =	sdelay $0x4  }
0xf8: {  	[tilespmem:s23], [sflag:$0x2] =	stream.indirect_vreg.gather [hbm4b:s2+s4], $0x80, v4, vm0, $0xb8;
	[tilespmem:$0x11000] =	vst v63  }
0xf9: {  	s19 =	simm.s32 $0x5800;
	v3 =	vperm.xlane v3, v2  }
0xfa: {  	[tilespmem:s19], [sflag:$0x2] =	stream.indirect_vreg.gather [hbm4b:s14+s4], $0x80, v4, vm0, $0xb8;
	[tilespmem:$0x11000] =	vst v63  }
0xfb: {  	s21 =	simm.s32 $0x6000;
	v3 =	vadd.s32 v1, v3  }
0xfc: {  	[tilespmem:s21], [sflag:$0x2] =	stream.indirect_vreg.gather [hbm4b:s15+s4], $0x80, v4, vm0, $0xb8;
	[tilespmem:$0x11000] =	vst v63  }
0xfd: {  	s5 =	simm.s32 $0x6800  }
0xfe: {  	[tilespmem:s5], [sflag:$0x2] =	stream.indirect_vreg.gather [hbm4b:s16+s4], $0x80, v4, vm0, $0xb8;
	[tilespmem:$0x11000] =	vst v63  }
0xff: {  	s13 =	simm.s32 $0x7000  }
0x100: {  	[tilespmem:s13], [sflag:$0x2] =	stream.indirect_vreg.gather [hbm4b:s2+s4], $0x80, v3, vm0, $0xb8;
	[tilespmem:$0x11000] =	vst v63  }
0x101: {  	s19 =	simm.s32 $0x7800  }
0x102: {  	[tilespmem:s19], [sflag:$0x2] =	stream.indirect_vreg.gather [hbm4b:s14+s4], $0x80, v3, vm0, $0xb8;
	[tilespmem:$0x11000] =	vst v63  }
0x103: {  	s21 =	simm.s32 $0x8000  }
0x104: {  	[tilespmem:s21], [sflag:$0x2] =	stream.indirect_vreg.gather [hbm4b:s15+s4], $0x80, v3, vm0, $0xb8;
	[tilespmem:$0x11000] =	vst v63  }
0x105: {  	s5 =	simm.s32 $0x8800  }
0x106: {  	[tilespmem:s5], [sflag:$0x2] =	stream.indirect_vreg.gather [hbm4b:s16+s4], $0x80, v3, vm0, $0xb8;
	[tilespmem:$0x11000] =	vst v63  }
0x107: {  	v3 =	vld [tilespmem:$0x20];
	_ =	sdelay $0x4  }
0x108: {  	v63 =	vshll.u32 v3, $0x3  }
0x109: {  	v3 =	vand.u32 $0x7, v3;
	v4 =	vand.u32 $0xFFFFFFC0, v63  }
0x10a: {  	v3 =	vor.u32 v3, v4  }
0x10b: {  	v4 =	vperm.xlane v3, v0;
	_ =	sdelay $0x1  }
0x10c: {  	v4 =	vadd.s32 v1, v4;
	_ =	sdelay $0x4  }
0x10d: {  	[tilespmem:s17], [sflag:$0x3] =	stream.indirect_vreg.gather [hbm4b:s2+s4], $0x80, v4, vm0, $0xb8;
	[tilespmem:$0x11000] =	vst v63  }
0x10e: {  	s13 =	simm.s32 $0x9800;
	v3 =	vperm.xlane v3, v2  }
0x10f: {  	[tilespmem:s13], [sflag:$0x3] =	stream.indirect_vreg.gather [hbm4b:s14+s4], $0x80, v4, vm0, $0xb8;
	[tilespmem:$0x11000] =	vst v63  }
0x110: {  	s19 =	simm.s32 $0xA000;
	v3 =	vadd.s32 v1, v3  }
0x111: {  	[tilespmem:s19], [sflag:$0x3] =	stream.indirect_vreg.gather [hbm4b:s15+s4], $0x80, v4, vm0, $0xb8;
	[tilespmem:$0x11000] =	vst v63  }
0x112: {  	s21 =	simm.s32 $0xA800  }
0x113: {  	[tilespmem:s21], [sflag:$0x3] =	stream.indirect_vreg.gather [hbm4b:s16+s4], $0x80, v4, vm0, $0xb8;
	[tilespmem:$0x11000] =	vst v63  }
0x114: {  	s5 =	simm.s32 $0xB000  }
0x115: {  	[tilespmem:s5], [sflag:$0x3] =	stream.indirect_vreg.gather [hbm4b:s2+s4], $0x80, v3, vm0, $0xb8;
	[tilespmem:$0x11000] =	vst v63  }
0x116: {  	s13 =	simm.s32 $0xB800  }
0x117: {  	[tilespmem:s13], [sflag:$0x3] =	stream.indirect_vreg.gather [hbm4b:s14+s4], $0x80, v3, vm0, $0xb8;
	[tilespmem:$0x11000] =	vst v63  }
0x118: {  	s19 =	simm.s32 $0xC000  }
0x119: {  	[tilespmem:s19], [sflag:$0x3] =	stream.indirect_vreg.gather [hbm4b:s15+s4], $0x80, v3, vm0, $0xb8;
	[tilespmem:$0x11000] =	vst v63  }
0x11a: {  	s21 =	simm.s32 $0xC800  }
0x11b: {  	[tilespmem:s21], [sflag:$0x3] =	stream.indirect_vreg.gather [hbm4b:s16+s4], $0x80, v3, vm0, $0xb8;
	[tilespmem:$0x11000] =	vst v63  }
0x11c: {  	s30 =	simm.s32 $0x60;
	s19 =	rddreg [dreg:$0xa];
	s21 =	simm.s32 $0x180  }
.LBB2_4:
0x11d: {  	p0 =	seq.s32 s21, $0x180  }
0x11e: {  	s5 =	sadd.s32 $0xFFFFFE80, s21;
	s1 =	simm.s32 @!p0 $0x8  }
0x11f: {  	s13 =	sadd.s32 $0xFFFFFFD0, s30;
	s5 =	sand.u32 $0x3E00, s5;
	_ =	swait.ge @!p0 [sflag:s1], $0x4000  }
0x120: {  	s13 =	sand.u32 $0x70, s13;
	s5 =	sshrl.u32 s5, $0x2;
	[sflag:s1] =	ssyncset.done @!p0 $0x0  }
0x121: {  	s13 =	sor.u32 s13, s5;
	[sflag:s1] =	ssyncadd.s32 @!p0 $0xFFFFC000  }
0x122: {  	v3 =	vld [tilespmem:s13+$0x0];
	_ =	sdelay $0x4  }
0x123: {  	v4 =	vshll.u32 v3, $0x3  }
0x124: {  	v3 =	vand.u32 $0x7, v3;
	v4 =	vand.u32 $0xFFFFFFC0, v4  }
0x125: {  	v3 =	vor.u32 v3, v4  }
0x126: {  	v4 =	vperm.xlane v3, v0;
	_ =	sdelay $0x1  }
0x127: {  	v4 =	vadd.s32 v1, v4;
	_ =	sdelay $0x4  }
0x128: {  	[tilespmem:s3], [sflag:$0x4] =	stream.indirect_vreg.gather [hbm4b:s2+s4], $0x80, v4, vm0, $0xb8;
	[tilespmem:$0x11000] =	vst v63  }
0x129: {  	s5 =	simm.s32 $0xD800;
	v3 =	vperm.xlane v3, v2  }
0x12a: {  	[tilespmem:s5], [sflag:$0x4] =	stream.indirect_vreg.gather [hbm4b:s14+s4], $0x80, v4, vm0, $0xb8;
	[tilespmem:$0x11000] =	vst v63  }
0x12b: {  	s13 =	simm.s32 $0xE000;
	v3 =	vadd.s32 v1, v3  }
0x12c: {  	[tilespmem:s13], [sflag:$0x4] =	stream.indirect_vreg.gather [hbm4b:s15+s4], $0x80, v4, vm0, $0xb8;
	[tilespmem:$0x11000] =	vst v63  }
0x12d: {  	s5 =	simm.s32 $0xE800  }
0x12e: {  	[tilespmem:s5], [sflag:$0x4] =	stream.indirect_vreg.gather [hbm4b:s16+s4], $0x80, v4, vm0, $0xb8;
	[tilespmem:$0x11000] =	vst v63  }
0x12f: {  	s13 =	simm.s32 $0xF000  }
0x130: {  	[tilespmem:s13], [sflag:$0x4] =	stream.indirect_vreg.gather [hbm4b:s2+s4], $0x80, v3, vm0, $0xb8;
	[tilespmem:$0x11000] =	vst v63  }
0x131: {  	s5 =	simm.s32 $0xF800  }
0x132: {  	[tilespmem:s5], [sflag:$0x4] =	stream.indirect_vreg.gather [hbm4b:s14+s4], $0x80, v3, vm0, $0xb8;
	[tilespmem:$0x11000] =	vst v63  }
0x133: {  	s13 =	simm.s32 $0x10000  }
0x134: {  	[tilespmem:s13], [sflag:$0x4] =	stream.indirect_vreg.gather [hbm4b:s15+s4], $0x80, v3, vm0, $0xb8;
	[tilespmem:$0x11000] =	vst v63  }
0x135: {  	_ = 	snop  }
0x136: {  	[tilespmem:s24], [sflag:$0x4] =	stream.indirect_vreg.gather [hbm4b:s16+s4], $0x80, v3, vm0, $0xb8;
	[tilespmem:$0x11000] =	vst v63  }
0x137: {  	_ =	swait.ge [sflag:s25], $0x4000  }
0x138: {  	p0 =	seq.s32 s21, $0x4080;
	[sflag:s25] =	ssyncset.done $0x0  }
0x139: {  	s1 =	sadd.s32 @!p0 $0xFFFFFF80, s21;
	s5 =	sadd.s32 $0xFFFFF000, s19;
	[sflag:s25] =	ssyncadd.s32 $0xFFFFC000  }
0x13a: {  	[hbm4b:s5+s4] =	stream.linear.scatter [tilespmem:s22], [sflag:$0x5], $0x4000, $0x38;
	[tilespmem:$0x11000] =	vst v63  }
0x13b: {  	s1 =	sand.u32 @!p0 $0x7E00, s1;
	s5 =	sadd.s32 @!p0 $0xFFFFFFE0, s30;
	_ =	swait.ge [sflag:s26], $0x4000  }
0x13c: {  	s1 =	sshrl.u32 @!p0 s1, $0x2;
	s5 =	sand.u32 @!p0 $0x40, s5;
	[sflag:s26] =	ssyncset.done $0x0  }
0x13d: {  	s1 =	sor.u32 @!p0 s5, s1;
	[sflag:s26] =	ssyncadd.s32 $0xFFFFC000  }
0x13e: {  	v3 =	vld @!p0 [tilespmem:s1+$0x0];
	_ =	sdelay $0x4  }
0x13f: {  	v4 =	vshll.u32 @!p0 v3, $0x3  }
0x140: {  	v5 =	vlaneseq.u32 @!p0;
	v3 =	vand.u32 @!p0 $0x7, v3;
	v4 =	vand.u32 @!p0 $0xFFFFFFC0, v4  }
0x141: {  	v6 =	vshrl.u32 @!p0 v5, $0x3;
	v3 =	vor.u32 @!p0 v3, v4;
	v4 =	vand.u32 @!p0 $0x7, v5  }
0x142: {  	v6 =	vmul.u32 @!p0 $0x8, v6;
	v7 =	vperm.xlane @!p0 v3, v4;
	_ =	sdelay $0x1  }
0x143: {  	v7 =	vadd.s32 @!p0 v6, v7;
	_ =	sdelay $0x3  }
0x144: {  	vm1 =	vmmov @!p0 $0xffff;
	s5 =	simm.s32 @!p0 $0x1000;
	s1 =	simm.s32 @!p0 $0x0  }
0x145: {  	v5 =	vor.u32 @!p0 $0x8, v5;
	[tilespmem:s5], [sflag:$0x1] =	stream.indirect_vreg.gather @!p0 [hbm4b:s2+s1], $0x80, v7, vm1, $0xb8;
	[tilespmem:$0x11000] =	vst v63  }
0x146: {  	v3 =	vperm.xlane @!p0 v3, v5;
	s5 =	simm.s32 @!p0 $0x1800  }
0x147: {  	[tilespmem:s5], [sflag:$0x1] =	stream.indirect_vreg.gather @!p0 [hbm4b:s14+s1], $0x80, v7, vm1, $0xb8;
	[tilespmem:$0x11000] =	vst v63  }
0x148: {  	v3 =	vadd.s32 @!p0 v6, v3;
	s5 =	simm.s32 @!p0 $0x2000  }
0x149: {  	[tilespmem:s5], [sflag:$0x1] =	stream.indirect_vreg.gather @!p0 [hbm4b:s15+s1], $0x80, v7, vm1, $0xb8;
	[tilespmem:$0x11000] =	vst v63  }
0x14a: {  	s5 =	simm.s32 @!p0 $0x2800  }
0x14b: {  	[tilespmem:s5], [sflag:$0x1] =	stream.indirect_vreg.gather @!p0 [hbm4b:s16+s1], $0x80, v7, vm1, $0xb8;
	[tilespmem:$0x11000] =	vst v63  }
0x14c: {  	s5 =	simm.s32 @!p0 $0x3000  }
0x14d: {  	[tilespmem:s5], [sflag:$0x1] =	stream.indirect_vreg.gather @!p0 [hbm4b:s2+s1], $0x80, v3, vm1, $0xb8;
	[tilespmem:$0x11000] =	vst v63  }
0x14e: {  	s5 =	simm.s32 @!p0 $0x3800  }
0x14f: {  	[tilespmem:s5], [sflag:$0x1] =	stream.indirect_vreg.gather @!p0 [hbm4b:s14+s1], $0x80, v3, vm1, $0xb8;
	[tilespmem:$0x11000] =	vst v63  }
0x150: {  	s5 =	simm.s32 @!p0 $0x4000  }
0x151: {  	[tilespmem:s5], [sflag:$0x1] =	stream.indirect_vreg.gather @!p0 [hbm4b:s15+s1], $0x80, v3, vm1, $0xb8;
	[tilespmem:$0x11000] =	vst v63  }
0x152: {  	s5 =	simm.s32 @!p0 $0x4800  }
0x153: {  	[tilespmem:s5], [sflag:$0x1] =	stream.indirect_vreg.gather @!p0 [hbm4b:s16+s1], $0x80, v3, vm1, $0xb8;
	[tilespmem:$0x11000] =	vst v63  }
0x154: {  	_ =	swait.ge [sflag:s28], $0x4000  }
0x155: {  	[sflag:s28] =	ssyncset.done $0x0  }
0x156: {  	s13 =	sadd.s32 $0xFFFFF800, s19;
	s5 =	sadd.s32 @!p0 $0xFFFFFFC0, s21;
	[sflag:s28] =	ssyncadd.s32 $0xFFFFC000  }
0x157: {  	[hbm4b:s13+s4] =	stream.linear.scatter [tilespmem:s23], [sflag:$0x6], $0x4000, $0x38;
	[tilespmem:$0x11000] =	vst v63  }
0x158: {  	s5 =	sand.u32 @!p0 $0x7E00, s5;
	s13 =	sadd.s32 @!p0 $0xFFFFFFF0, s30;
	_ =	swait.ge [sflag:s29], $0x4000  }
0x159: {  	s5 =	sshrl.u32 @!p0 s5, $0x2;
	s13 =	sand.u32 @!p0 $0x50, s13;
	[sflag:s29] =	ssyncset.done $0x0  }
0x15a: {  	s5 =	sor.u32 @!p0 s13, s5;
	[sflag:s29] =	ssyncadd.s32 $0xFFFFC000  }
0x15b: {  	v3 =	vld @!p0 [tilespmem:s5+$0x0];
	_ =	sdelay $0x4  }
0x15c: {  	v7 =	vshll.u32 @!p0 v3, $0x3  }
0x15d: {  	v3 =	vand.u32 @!p0 $0x7, v3;
	v7 =	vand.u32 @!p0 $0xFFFFFFC0, v7  }
0x15e: {  	v3 =	vor.u32 @!p0 v3, v7  }
0x15f: {  	v7 =	vperm.xlane @!p0 v3, v4;
	_ =	sdelay $0x1  }
0x160: {  	v7 =	vadd.s32 @!p0 v6, v7;
	_ =	sdelay $0x3  }
0x161: {  	s5 =	simm.s32 @!p0 $0x5000  }
0x162: {  	[tilespmem:s5], [sflag:$0x2] =	stream.indirect_vreg.gather @!p0 [hbm4b:s2+s1], $0x80, v7, vm1, $0xb8;
	[tilespmem:$0x11000] =	vst v63  }
0x163: {  	v3 =	vperm.xlane @!p0 v3, v5;
	s5 =	simm.s32 @!p0 $0x5800  }
0x164: {  	[tilespmem:s5], [sflag:$0x2] =	stream.indirect_vreg.gather @!p0 [hbm4b:s14+s1], $0x80, v7, vm1, $0xb8;
	[tilespmem:$0x11000] =	vst v63  }
0x165: {  	v3 =	vadd.s32 @!p0 v6, v3;
	s5 =	simm.s32 @!p0 $0x6000  }
0x166: {  	[tilespmem:s5], [sflag:$0x2] =	stream.indirect_vreg.gather @!p0 [hbm4b:s15+s1], $0x80, v7, vm1, $0xb8;
	[tilespmem:$0x11000] =	vst v63  }
0x167: {  	s5 =	simm.s32 @!p0 $0x6800  }
0x168: {  	[tilespmem:s5], [sflag:$0x2] =	stream.indirect_vreg.gather @!p0 [hbm4b:s16+s1], $0x80, v7, vm1, $0xb8;
	[tilespmem:$0x11000] =	vst v63  }
0x169: {  	s5 =	simm.s32 @!p0 $0x7000  }
0x16a: {  	[tilespmem:s5], [sflag:$0x2] =	stream.indirect_vreg.gather @!p0 [hbm4b:s2+s1], $0x80, v3, vm1, $0xb8;
	[tilespmem:$0x11000] =	vst v63  }
0x16b: {  	s5 =	simm.s32 @!p0 $0x7800  }
0x16c: {  	[tilespmem:s5], [sflag:$0x2] =	stream.indirect_vreg.gather @!p0 [hbm4b:s14+s1], $0x80, v3, vm1, $0xb8;
	[tilespmem:$0x11000] =	vst v63  }
0x16d: {  	s5 =	simm.s32 @!p0 $0x8000  }
0x16e: {  	[tilespmem:s5], [sflag:$0x2] =	stream.indirect_vreg.gather @!p0 [hbm4b:s15+s1], $0x80, v3, vm1, $0xb8;
	[tilespmem:$0x11000] =	vst v63  }
0x16f: {  	s5 =	simm.s32 @!p0 $0x8800  }
0x170: {  	[tilespmem:s5], [sflag:$0x2] =	stream.indirect_vreg.gather @!p0 [hbm4b:s16+s1], $0x80, v3, vm1, $0xb8;
	[tilespmem:$0x11000] =	vst v63  }
0x171: {  	_ =	swait.ge [sflag:s31], $0x4000  }
0x172: {  	[sflag:s31] =	ssyncset.done $0x0  }
0x173: {  	[sflag:s31] =	ssyncadd.s32 $0xFFFFC000  }
0x174: {  	[hbm4b:s19+s4] =	stream.linear.scatter [tilespmem:s17], [sflag:$0x7], $0x4000, $0x38;
	[tilespmem:$0x11000] =	vst v63  }
0x175: {  	s5 =	sand.u32 @!p0 $0x7E00, s21;
	_ =	swait.ge [sflag:s18], $0x4000  }
0x176: {  	s13 =	sand.u32 @!p0 $0x60, s30;
	s5 =	sshrl.u32 @!p0 s5, $0x2;
	[sflag:s18] =	ssyncset.done $0x0  }
0x177: {  	s5 =	sor.u32 @!p0 s13, s5;
	[sflag:s18] =	ssyncadd.s32 $0xFFFFC000  }
0x178: {  	v3 =	vld @!p0 [tilespmem:s5+$0x0];
	_ =	sdelay $0x4  }
0x179: {  	v7 =	vshll.u32 @!p0 v3, $0x3  }
0x17a: {  	v3 =	vand.u32 @!p0 $0x7, v3;
	v7 =	vand.u32 @!p0 $0xFFFFFFC0, v7  }
0x17b: {  	v3 =	vor.u32 @!p0 v3, v7  }
0x17c: {  	v4 =	vperm.xlane @!p0 v3, v4;
	_ =	sdelay $0x1  }
0x17d: {  	v4 =	vadd.s32 @!p0 v6, v4;
	_ =	sdelay $0x3  }
0x17e: {  	s5 =	simm.s32 @!p0 $0x9000  }
0x17f: {  	[tilespmem:s5], [sflag:$0x3] =	stream.indirect_vreg.gather @!p0 [hbm4b:s2+s1], $0x80, v4, vm1, $0xb8;
	[tilespmem:$0x11000] =	vst v63  }
0x180: {  	v3 =	vperm.xlane @!p0 v3, v5;
	s5 =	simm.s32 @!p0 $0x9800  }
0x181: {  	[tilespmem:s5], [sflag:$0x3] =	stream.indirect_vreg.gather @!p0 [hbm4b:s14+s1], $0x80, v4, vm1, $0xb8;
	[tilespmem:$0x11000] =	vst v63  }
0x182: {  	v3 =	vadd.s32 @!p0 v6, v3;
	s5 =	simm.s32 @!p0 $0xA000  }
0x183: {  	[tilespmem:s5], [sflag:$0x3] =	stream.indirect_vreg.gather @!p0 [hbm4b:s15+s1], $0x80, v4, vm1, $0xb8;
	[tilespmem:$0x11000] =	vst v63  }
0x184: {  	s5 =	simm.s32 @!p0 $0xA800  }
0x185: {  	[tilespmem:s5], [sflag:$0x3] =	stream.indirect_vreg.gather @!p0 [hbm4b:s16+s1], $0x80, v4, vm1, $0xb8;
	[tilespmem:$0x11000] =	vst v63  }
0x186: {  	s5 =	simm.s32 @!p0 $0xB000  }
0x187: {  	[tilespmem:s5], [sflag:$0x3] =	stream.indirect_vreg.gather @!p0 [hbm4b:s2+s1], $0x80, v3, vm1, $0xb8;
	[tilespmem:$0x11000] =	vst v63  }
0x188: {  	s5 =	simm.s32 @!p0 $0xB800  }
0x189: {  	[tilespmem:s5], [sflag:$0x3] =	stream.indirect_vreg.gather @!p0 [hbm4b:s14+s1], $0x80, v3, vm1, $0xb8;
	[tilespmem:$0x11000] =	vst v63  }
0x18a: {  	s5 =	simm.s32 @!p0 $0xC000  }
0x18b: {  	[tilespmem:s5], [sflag:$0x3] =	stream.indirect_vreg.gather @!p0 [hbm4b:s15+s1], $0x80, v3, vm1, $0xb8;
	[tilespmem:$0x11000] =	vst v63  }
0x18c: {  	s21 =	sadd.s32 $0x100, s21;
	s5 =	simm.s32 @!p0 $0xC800  }
0x18d: {  	[tilespmem:s5], [sflag:$0x3] =	stream.indirect_vreg.gather @!p0 [hbm4b:s16+s1], $0x80, v3, vm1, $0xb8;
	[tilespmem:$0x11000] =	vst v63  }
0x18e: {  	p0 =	sne.s32 s21, $0x4180  }
.Ltmp1:
0x18f: {  	_ = 	snop;
	(pc) =	sbr.rel @p0 .LBB2_4-.Ltmp1, $4  }
0x190: {  	_ =	swait.ge [sflag:s20], $0x4000  }
0x191: {  	s30 =	sadd.s32 $0x40, s30;
	[sflag:s20] =	ssyncset.done $0x0  }
0x192: {  	s13 =	sadd.s32 $0x800, s19;
	s19 =	sadd.s32 $0x2000, s19;
	[sflag:s20] =	ssyncadd.s32 $0xFFFFC000  }
0x193: {  	[hbm4b:s13+s4] =	stream.linear.scatter [tilespmem:s3], [sflag:$0x8], $0x4000, $0x38;
	[tilespmem:$0x11000] =	vst v63  }
0x194: {  	s5 =	simm.s32 $0x8  }
0x195: {  	_ =	swait.ge [sflag:s5], $0x4000  }
0x196: {  	s19 =	rddreg [dreg:$0xb]  }
0x197: {  	s1 =	rddreg [dreg:$0x8];
	s19 =	sadd.s32 $0x1, s19  }
0x198: {  	p0 =	sne.s32 s19, s1  }
.Ltmp2:
0x199: {  	_ = 	snop;
	(pc) =	sbr.rel @p0 .LBB2_1-.Ltmp2, $3  }
0x19a: {  	_ =	sdelay $0x1  }
0x19b: {  	s13 =	simm.s32 $0x5000;
	[sflag:s5] =	ssyncset.done $0x0  }
0x19c: {  	s17 =	simm.s32 $0x9000;
	[sflag:s5] =	ssyncadd.s32 $0xFFFFC000;
	s5 =	simm.s32 $0x1000  }
0x19d: {  	_ =	sfence.sel $0x180000  }
0x19e: {  	[bflag:$0x0] =	sbarrier.arrive $0xFFFF  }
0x19f: {  	_ =	strace $0x90000047  }
0x1a0: {  	s0 =	stileid.u32;
	[bflag:$0x2] =	sbarrier.arrive $0xFFFF  }
0x1a1: {  	p0 =	sne.s32 s0, $0x0;
	s0 =	rddreg [dreg:$0x5]  }
0x1a2: {  	s0 =	sadd.s32 @!p0 $0x100000, s0  }
0x1a3: {  	[sflag:s0] =	ssyncadd.tile.s32 @!p0 $0x1;
	_ =	shalt  }
.Lfunc_end2:
_tile_overlayer_lowered:
.L_overlay_start_2:
0x1a4: {  	(tag) =	ssettag $0x2  }
0x1a5: {  	s0 =	rddreg [dreg:$0x0];
	s2 =	stileid.u32  }
0x1a6: {  	s1 =	rddreg [dreg:$0x1];
	p0 =	sne.s32 s2, $0x0  }
0x1a7: {  	s3 =	rddreg [dreg:$0x2];
	[bflag:$0x3] =	sbarrier.arrive $0xFFFF;
	s2 =	simm.s32 @!p0 $0x1C01  }
0x1a8: {  	[timem:s3], [sflag:s2] =	dma.local @!p0 [hbm:s0], s1  }
0x1a9: {  	s0 =	simm.s32 @!p0 $0x1  }
0x1aa: {  	_ =	swait.ge @!p0 [sflag:s0], s1  }
0x1ab: {  	s1 =	ssub.s32 @!p0 $0x0, s1;
	[sflag:s0] =	ssyncset.done @!p0 $0x0  }
0x1ac: {  	[sflag:s0] =	ssyncadd.s32 @!p0 s1  }
0x1ad: {  	[bflag:$0x3] =	sbarrier.arrive $0xFFFF  }
0x1ae: {  	_ =	shalt  }

</sc_bundles>
